<compile_context>
chip_gen: v7x
topology: tpu7x:2x2x1
jax: 0.10.2.dev20260603
libtpu: 0.0.44.dev20260713+nightly
codegen_flags: <defaults>
</compile_context>

<pallas_src>
import dataclasses
import functools

import jax
import jax.numpy as jnp
from jax import lax
from jax.experimental import pallas as pl
from jax.experimental.pallas import tpu as pltpu
from jax.experimental.pallas import tpu_sc as plsc

_NC = 2
_NS = 16
_NW = _NC * _NS
_L = 16
_W = 128


def kernel(h, edge_index):
    n_nodes, d = h.shape
    e = edge_index.shape[1]
    assert e % _W == 0 and d % _L == 0
    h = lax.bitcast_convert_type(
        h.astype(jnp.bfloat16).reshape(n_nodes, d // 2, 2), jnp.int32)
    src = edge_index[0].astype(jnp.int32)
    dst = edge_index[1].astype(jnp.int32)
    n_chunks = e // _W
    base_chunks = n_chunks // _NW
    rem = n_chunks % _NW
    maxc = base_chunks + (1 if rem else 0)

    mesh = plsc.VectorSubcoreMesh(core_axis_name="c", subcore_axis_name="s")
    cp = pltpu.CompilerParams()
    if "needs_layout_passes" in pltpu.CompilerParams.__dataclass_fields__:
        cp = dataclasses.replace(cp, needs_layout_passes=False)
    if "use_tc_tiling_on_sc" in pltpu.CompilerParams.__dataclass_fields__:
        cp = dataclasses.replace(cp, use_tc_tiling_on_sc=False)

    @functools.partial(
        pl.kernel,
        out_type=jax.ShapeDtypeStruct((e,), jnp.float32),
        mesh=mesh,
        compiler_params=cp,
        scratch_types=[
            pltpu.VMEM((maxc * _W,), jnp.int32),
            pltpu.VMEM((maxc * _W,), jnp.int32),
            pltpu.VMEM((_W, d // 2), jnp.int32),
            pltpu.VMEM((_W, d // 2), jnp.int32),
            pltpu.VMEM((_W, d // 2), jnp.int32),
            pltpu.VMEM((_W, d // 2), jnp.int32),
            pltpu.VMEM_SHARED((n_nodes, d // 2), jnp.int32),
            pltpu.VMEM((_W * _L,), jnp.float32),
            pltpu.VMEM((_W,), jnp.float32),
            pltpu.VMEM((_W,), jnp.float32),
            pltpu.SemaphoreType.DMA,
            pltpu.SemaphoreType.DMA,
            pltpu.SemaphoreType.DMA,
            pltpu.SemaphoreType.DMA,
        ],
    )
    def _scores(h_hbm, src_hbm, dst_hbm, out_hbm, si_v, di_v, u0, v0, u1, v1,
                hs, p_v, o0, o1, sem0, sem1, semo0, semo1):
        wid = lax.axis_index("s") * _NC + lax.axis_index("c")
        nt = base_chunks + jnp.where(wid < rem, 1, 0)
        start_c = wid * base_chunks + jnp.minimum(wid, rem)
        ibase = start_c * _W
        pbase = jnp.minimum(ibase, (n_chunks - maxc) * _W)
        delta = ibase - pbase
        row_off = lax.iota(jnp.int32, _L) * _L

        pltpu.sync_copy(src_hbm.at[pl.ds(pbase, maxc * _W)], si_v)
        pltpu.sync_copy(dst_hbm.at[pl.ds(pbase, maxc * _W)], di_v)

        sid = lax.axis_index("s")
        r_main = (n_nodes // (8 * _NS)) * 8
        r_last = n_nodes - (_NS - 1) * r_main
        sbase = sid * r_main

        @pl.when(sid < _NS - 1)
        def _():
            pltpu.sync_copy(h_hbm.at[pl.ds(sbase, r_main)],
                            hs.at[pl.ds(sbase, r_main)])

        @pl.when(sid == _NS - 1)
        def _():
            pltpu.sync_copy(h_hbm.at[pl.ds(sbase, r_last)],
                            hs.at[pl.ds(sbase, r_last)])

        plsc.subcore_barrier()

        def issue(slot, ub, vb, sem):
            ioff = delta + slot * _W
            pltpu.async_copy(hs.at[si_v.at[pl.ds(ioff, _W)]], ub, sem)
            pltpu.async_copy(hs.at[di_v.at[pl.ds(ioff, _W)]], vb, sem)

        def drain(slot, ub, vb, sem):
            ioff = delta + slot * _W
            pltpu.make_async_copy(
                hs.at[si_v.at[pl.ds(ioff, _W)]], ub, sem).wait()
            pltpu.make_async_copy(
                hs.at[di_v.at[pl.ds(ioff, _W)]], vb, sem).wait()

        def row_dot(ub, vb, i):
            acc = None
            for j in range(d // (2 * _L)):
                pu = plsc.bitcast(ub[i, pl.ds(j * _L, _L)], jnp.bfloat16)
                pv = plsc.bitcast(vb[i, pl.ds(j * _L, _L)], jnp.bfloat16)
                prod = pu * pv
                acc = prod if acc is None else acc + prod
            lo, hi = plsc.unpack(acc, format=plsc.PackFormat.INTERLEAVED)
            return lo + hi

        _UNROLL = 8

        def compute(ub, vb, ob):
            @pl.loop(0, _W, step=_UNROLL)
            def _(i):
                for r in range(_UNROLL):
                    p_v[pl.ds((i + r) * _L, _L)] = row_dot(ub, vb, i + r)

            @pl.loop(0, _W // _L, step=2)
            def _(g):
                for r in range(2):
                    gbase = (g + r) * (_L * _L)
                    acc = plsc.load_gather(p_v, [row_off + gbase])
                    for l in range(1, _L):
                        acc = acc + plsc.load_gather(
                            p_v, [row_off + (gbase + l)])
                    ob[pl.ds((g + r) * _L, _L)] = acc

        issue(0, u0, v0, sem0)
        issue(1, u1, v1, sem1)

        @pl.loop(0, maxc + (maxc & 1), step=2)
        def _(k):
            for b, (ub, vb, sem, ob, semo) in enumerate((
                    (u0, v0, sem0, o0, semo0), (u1, v1, sem1, o1, semo1))):
                slot = k + b

                @pl.when(slot < nt)
                def _():
                    drain(slot, ub, vb, sem)

                    @pl.when(slot >= 2)
                    def _():
                        pltpu.make_async_copy(
                            ob,
                            out_hbm.at[pl.ds(ibase + (slot - 2) * _W, _W)],
                            semo).wait()

                    compute(ub, vb, ob)
                    pltpu.async_copy(
                        ob, out_hbm.at[pl.ds(ibase + slot * _W, _W)], semo)

                    @pl.when(slot + 2 < nt)
                    def _():
                        issue(slot + 2, ub, vb, sem)

        lb0 = jnp.where(((nt - 1) % 2) == 0, nt - 1, nt - 2)
        lb1 = jnp.where(((nt - 1) % 2) == 1, nt - 1, nt - 2)
        pltpu.make_async_copy(
            o0, out_hbm.at[pl.ds(ibase + lb0 * _W, _W)], semo0).wait()
        pltpu.make_async_copy(
            o1, out_hbm.at[pl.ds(ibase + lb1 * _W, _W)], semo1).wait()

    return _scores(h, src, dst)

# --- scband reference (transcript-rebuilt; emitter-appended) ---
"""Pipeline reference for scband-dot-predictor-43379169689801 (READ-ONLY COPY).

The authoritative reference and input builder live on the scoring server;
editing this copy changes nothing except your own understanding.
"""

import jax, jax.numpy as jnp
import numpy as np


def setup_inputs(seed: int = 0) -> dict:
    key = jax.random.key(seed)
    k1, k2 = jax.random.split(key)
    n_nodes = 10000
    n_edges = 320000
    d_feat = 128
    h = jax.random.normal(k1, (n_nodes, d_feat), dtype=jnp.float32)
    edge_index = jax.random.randint(k2, (2, n_edges), 0, n_nodes, dtype=jnp.int64)
    return {"h": h, "edge_index": edge_index}


def reference(h, edge_index):
    # DGL DotPredictor: for each edge (u, v), score = dot(h[u], h[v])
    # g.apply_edges(fn.u_dot_v('h', 'h', 'score')) -> edata['score'][:, 0]
    src = edge_index[0]
    dst = edge_index[1]
    h_u = jnp.take(h, src, axis=0)  # gather source node features [E, d]
    h_v = jnp.take(h, dst, axis=0)  # gather destination node features [E, d]
    score = jnp.sum(h_u * h_v, axis=-1)  # per-edge dot product [E]
    return score

if __name__ == "__main__":
    import jax
    _d = setup_inputs()
    print(jax.jit(kernel)(*tuple(_d.values())))

</pallas_src>

<mosaic_0001>
#map = affine_map<(d0, d1) -> (0, 0)>
#map1 = affine_map<(d0, d1) -> (0)>
module attributes {stable_mosaic.version = 14 : i64} {
  func.func @_scores(%arg0: i32, %arg1: i32, %arg2: memref<10000x64xi32, #tpu.memory_space<hbm>>, %arg3: memref<320000xi32, #tpu.memory_space<hbm>>, %arg4: memref<320000xi32, #tpu.memory_space<hbm>>, %arg5: memref<320000xf32, #tpu.memory_space<hbm>>, %arg6: memref<10112xi32, #tpu.memory_space<vmem>>, %arg7: memref<10112xi32, #tpu.memory_space<vmem>>, %arg8: memref<128x64xi32, #tpu.memory_space<vmem>>, %arg9: memref<128x64xi32, #tpu.memory_space<vmem>>, %arg10: memref<128x64xi32, #tpu.memory_space<vmem>>, %arg11: memref<128x64xi32, #tpu.memory_space<vmem>>, %arg12: memref<10000x64xi32, #tpu.memory_space<vmem_shared>>, %arg13: memref<2048xf32, #tpu.memory_space<vmem>>, %arg14: memref<128xf32, #tpu.memory_space<vmem>>, %arg15: memref<128xf32, #tpu.memory_space<vmem>>, %arg16: memref<!tpu.dma_semaphore, #tpu.memory_space<semaphore_mem>>, %arg17: memref<!tpu.dma_semaphore, #tpu.memory_space<semaphore_mem>>, %arg18: memref<!tpu.dma_semaphore, #tpu.memory_space<semaphore_mem>>, %arg19: memref<!tpu.dma_semaphore, #tpu.memory_space<semaphore_mem>>) attributes {dimension_semantics = [#tpu.dimension_semantics<core_parallel>, #tpu.dimension_semantics<subcore_parallel>], iteration_bounds = array<i64: 2, 16>, scalar_prefetch = 0 : i64, scratch_operands = 14 : i64, tpu.core_type = #tpu.core_type<sc_vector_subcore>, window_params = [{transform_indices = #map}, {transform_indices = #map1}, {transform_indices = #map1}, {transform_indices = #map1}]} {
    %mul3A = arith.constant 2 : i32
    %mul3A_0 = arith.muli %arg1, %mul3A : i32
    %add3A = arith.addi %mul3A_0, %arg0 : i32
    %lt3A = arith.constant 4 : i32
    %lt3A_1 = arith.cmpi slt, %add3A, %lt3A : i32
    %jit3A = arith.constant 1 : i32
    %jit3A_2 = arith.constant 0 : i32
    %select_n3A = arith.select %lt3A_1, %jit3A, %jit3A_2 : i32
    %add3A_3 = arith.constant 78 : i32
    %add3A_4 = arith.addi %add3A_3, %select_n3A : i32
    %mul3A_5 = arith.constant 78 : i32
    %mul3A_6 = arith.muli %add3A, %mul3A_5 : i32
    %min3A = arith.constant 4 : i32
    %min3A_7 = arith.minsi %add3A, %min3A : i32
    %add3A_8 = arith.addi %mul3A_6, %min3A_7 : i32
    %mul3A_9 = arith.constant 128 : i32
    %mul3A_10 = arith.muli %add3A_8, %mul3A_9 : i32
    %min3A_11 = arith.constant 309888 : i32
    %min3A_12 = arith.minsi %mul3A_10, %min3A_11 : i32
    %sub3A = arith.subi %mul3A_10, %min3A_12 : i32
    %iota3A = tpu.iota {dimensions = array<i32: 0>} : vector<16xi32>
    %mul3A_13 = arith.constant 16 : i32
    %mul3A_14 = vector.broadcast %mul3A_13 : i32 to vector<16xi32>
    %mul3A_15 = arith.muli %iota3A, %mul3A_14 : vector<16xi32>
    "tpu.region"() ({
      %run_scoped3A = tpu.sem_alloc : memref<!tpu.dma_semaphore, #tpu.memory_space<semaphore_mem>>
      %dma_start3A_104 = tpu.memref_slice %arg3[%min3A_12] : memref<320000xi32, #tpu.memory_space<hbm>> -> memref<10112xi32, #tpu.memory_space<hbm>>
      %dma_start3A_105 = tpu.memref_slice %arg3[%min3A_12] : memref<320000xi32, #tpu.memory_space<hbm>> -> memref<10112xi32, #tpu.memory_space<hbm>>
      tpu.enqueue_dma source(%dma_start3A_105 : memref<10112xi32, #tpu.memory_space<hbm>>) target(%arg6 : memref<10112xi32, #tpu.memory_space<vmem>>) target_semaphore(%run_scoped3A : memref<!tpu.dma_semaphore, #tpu.memory_space<semaphore_mem>>)
      %dma_wait3A_106 = tpu.memref_slice %arg3[%min3A_12] : memref<320000xi32, #tpu.memory_space<hbm>> -> memref<10112xi32, #tpu.memory_space<hbm>>
      %dma_wait3A_107 = tpu.memref_slice %arg3[%min3A_12] : memref<320000xi32, #tpu.memory_space<hbm>> -> memref<10112xi32, #tpu.memory_space<hbm>>
      tpu.wait_dma2 semaphore(%run_scoped3A : memref<!tpu.dma_semaphore, #tpu.memory_space<semaphore_mem>>) src(%dma_wait3A_107 : memref<10112xi32, #tpu.memory_space<hbm>>) dst(%arg6 : memref<10112xi32, #tpu.memory_space<vmem>>)
      tpu.yield
    }) : () -> ()
    "tpu.region"() ({
      %run_scoped3A = tpu.sem_alloc : memref<!tpu.dma_semaphore, #tpu.memory_space<semaphore_mem>>
      %dma_start3A_104 = tpu.memref_slice %arg4[%min3A_12] : memref<320000xi32, #tpu.memory_space<hbm>> -> memref<10112xi32, #tpu.memory_space<hbm>>
      %dma_start3A_105 = tpu.memref_slice %arg4[%min3A_12] : memref<320000xi32, #tpu.memory_space<hbm>> -> memref<10112xi32, #tpu.memory_space<hbm>>
      tpu.enqueue_dma source(%dma_start3A_105 : memref<10112xi32, #tpu.memory_space<hbm>>) target(%arg7 : memref<10112xi32, #tpu.memory_space<vmem>>) target_semaphore(%run_scoped3A : memref<!tpu.dma_semaphore, #tpu.memory_space<semaphore_mem>>)
      %dma_wait3A_106 = tpu.memref_slice %arg4[%min3A_12] : memref<320000xi32, #tpu.memory_space<hbm>> -> memref<10112xi32, #tpu.memory_space<hbm>>
      %dma_wait3A_107 = tpu.memref_slice %arg4[%min3A_12] : memref<320000xi32, #tpu.memory_space<hbm>> -> memref<10112xi32, #tpu.memory_space<hbm>>
      tpu.wait_dma2 semaphore(%run_scoped3A : memref<!tpu.dma_semaphore, #tpu.memory_space<semaphore_mem>>) src(%dma_wait3A_107 : memref<10112xi32, #tpu.memory_space<hbm>>) dst(%arg7 : memref<10112xi32, #tpu.memory_space<vmem>>)
      tpu.yield
    }) : () -> ()
    %mul3A_16 = arith.constant 624 : i32
    %mul3A_17 = arith.muli %arg1, %mul3A_16 : i32
    %lt3A_18 = arith.constant 15 : i32
    %lt3A_19 = arith.cmpi slt, %arg1, %lt3A_18 : i32
    %convert_element_type3A = arith.extui %lt3A_19 : i1 to i32
    %cond3A = arith.constant 0 : i32
    %cond3A_20 = arith.cmpi ne, %convert_element_type3A, %cond3A : i32
    scf.if %cond3A_20 {
      "tpu.region"() ({
        %run_scoped3A = tpu.sem_alloc : memref<!tpu.dma_semaphore, #tpu.memory_space<semaphore_mem>>
        %dma_start3A_104 = arith.constant 0 : i32
        %dma_start3A_105 = tpu.memref_slice %arg12[%mul3A_17, %dma_start3A_104] : memref<10000x64xi32, #tpu.memory_space<vmem_shared>> -> memref<624x64xi32, #tpu.memory_space<vmem_shared>>
        %dma_start3A_106 = arith.constant 0 : i32
        %dma_start3A_107 = tpu.memref_slice %arg2[%mul3A_17, %dma_start3A_106] : memref<10000x64xi32, #tpu.memory_space<hbm>> -> memref<624x64xi32, #tpu.memory_space<hbm>>
        tpu.enqueue_dma source(%dma_start3A_107 : memref<624x64xi32, #tpu.memory_space<hbm>>) target(%dma_start3A_105 : memref<624x64xi32, #tpu.memory_space<vmem_shared>>) target_semaphore(%run_scoped3A : memref<!tpu.dma_semaphore, #tpu.memory_space<semaphore_mem>>)
        %dma_wait3A_108 = arith.constant 0 : i32
        %dma_wait3A_109 = tpu.memref_slice %arg12[%mul3A_17, %dma_wait3A_108] : memref<10000x64xi32, #tpu.memory_space<vmem_shared>> -> memref<624x64xi32, #tpu.memory_space<vmem_shared>>
        %dma_wait3A_110 = arith.constant 0 : i32
        %dma_wait3A_111 = tpu.memref_slice %arg2[%mul3A_17, %dma_wait3A_110] : memref<10000x64xi32, #tpu.memory_space<hbm>> -> memref<624x64xi32, #tpu.memory_space<hbm>>
        tpu.wait_dma2 semaphore(%run_scoped3A : memref<!tpu.dma_semaphore, #tpu.memory_space<semaphore_mem>>) src(%dma_wait3A_111 : memref<624x64xi32, #tpu.memory_space<hbm>>) dst(%dma_wait3A_109 : memref<624x64xi32, #tpu.memory_space<vmem_shared>>)
        tpu.yield
      }) : () -> ()
    } else {
    }
    %eq3A = arith.constant 15 : i32
    %eq3A_21 = arith.cmpi eq, %arg1, %eq3A : i32
    %convert_element_type3A_22 = arith.extui %eq3A_21 : i1 to i32
    %cond3A_23 = arith.constant 0 : i32
    %cond3A_24 = arith.cmpi ne, %convert_element_type3A_22, %cond3A_23 : i32
    scf.if %cond3A_24 {
      "tpu.region"() ({
        %run_scoped3A = tpu.sem_alloc : memref<!tpu.dma_semaphore, #tpu.memory_space<semaphore_mem>>
        %dma_start3A_104 = arith.constant 0 : i32
        %dma_start3A_105 = tpu.memref_slice %arg12[%mul3A_17, %dma_start3A_104] : memref<10000x64xi32, #tpu.memory_space<vmem_shared>> -> memref<640x64xi32, #tpu.memory_space<vmem_shared>>
        %dma_start3A_106 = arith.constant 0 : i32
        %dma_start3A_107 = tpu.memref_slice %arg2[%mul3A_17, %dma_start3A_106] : memref<10000x64xi32, #tpu.memory_space<hbm>> -> memref<640x64xi32, #tpu.memory_space<hbm>>
        tpu.enqueue_dma source(%dma_start3A_107 : memref<640x64xi32, #tpu.memory_space<hbm>>) target(%dma_start3A_105 : memref<640x64xi32, #tpu.memory_space<vmem_shared>>) target_semaphore(%run_scoped3A : memref<!tpu.dma_semaphore, #tpu.memory_space<semaphore_mem>>)
        %dma_wait3A_108 = arith.constant 0 : i32
        %dma_wait3A_109 = tpu.memref_slice %arg12[%mul3A_17, %dma_wait3A_108] : memref<10000x64xi32, #tpu.memory_space<vmem_shared>> -> memref<640x64xi32, #tpu.memory_space<vmem_shared>>
        %dma_wait3A_110 = arith.constant 0 : i32
        %dma_wait3A_111 = tpu.memref_slice %arg2[%mul3A_17, %dma_wait3A_110] : memref<10000x64xi32, #tpu.memory_space<hbm>> -> memref<640x64xi32, #tpu.memory_space<hbm>>
        tpu.wait_dma2 semaphore(%run_scoped3A : memref<!tpu.dma_semaphore, #tpu.memory_space<semaphore_mem>>) src(%dma_wait3A_111 : memref<640x64xi32, #tpu.memory_space<hbm>>) dst(%dma_wait3A_109 : memref<640x64xi32, #tpu.memory_space<vmem_shared>>)
        tpu.yield
      }) : () -> ()
    } else {
    }
    %barrier3A = arith.constant 0 : index
    tpu.barrier barrier_id(%barrier3A)
    %add3A_25 = arith.constant 0 : i32
    %add3A_26 = arith.addi %sub3A, %add3A_25 : i32
    %dma_start3A = tpu.memref_slice %arg6[%add3A_26] : memref<10112xi32, #tpu.memory_space<vmem>> -> memref<128xi32, #tpu.memory_space<vmem>>
    %dma_start3A_27 = arith.constant 0 : i32
    %dma_start3A_28 = arith.constant 0 : i32
    %dma_start3A_29 = tpu.memref_slice %arg12[%dma_start3A_27, %dma_start3A_28] : memref<10000x64xi32, #tpu.memory_space<vmem_shared>> -> memref<10000x64xi32, #tpu.memory_space<vmem_shared>>
    tpu.enqueue_indirect_dma source(%dma_start3A_29 : memref<10000x64xi32, #tpu.memory_space<vmem_shared>>) target(%arg8 : memref<128x64xi32, #tpu.memory_space<vmem>>) offsets(%dma_start3A : memref<128xi32, #tpu.memory_space<vmem>>) semaphore(%arg16 : memref<!tpu.dma_semaphore, #tpu.memory_space<semaphore_mem>>)
    %dma_start3A_30 = tpu.memref_slice %arg7[%add3A_26] : memref<10112xi32, #tpu.memory_space<vmem>> -> memref<128xi32, #tpu.memory_space<vmem>>
    %dma_start3A_31 = arith.constant 0 : i32
    %dma_start3A_32 = arith.constant 0 : i32
    %dma_start3A_33 = tpu.memref_slice %arg12[%dma_start3A_31, %dma_start3A_32] : memref<10000x64xi32, #tpu.memory_space<vmem_shared>> -> memref<10000x64xi32, #tpu.memory_space<vmem_shared>>
    tpu.enqueue_indirect_dma source(%dma_start3A_33 : memref<10000x64xi32, #tpu.memory_space<vmem_shared>>) target(%arg9 : memref<128x64xi32, #tpu.memory_space<vmem>>) offsets(%dma_start3A_30 : memref<128xi32, #tpu.memory_space<vmem>>) semaphore(%arg16 : memref<!tpu.dma_semaphore, #tpu.memory_space<semaphore_mem>>)
    %add3A_34 = arith.constant 128 : i32
    %add3A_35 = arith.addi %sub3A, %add3A_34 : i32
    %dma_start3A_36 = tpu.memref_slice %arg6[%add3A_35] : memref<10112xi32, #tpu.memory_space<vmem>> -> memref<128xi32, #tpu.memory_space<vmem>>
    %dma_start3A_37 = arith.constant 0 : i32
    %dma_start3A_38 = arith.constant 0 : i32
    %dma_start3A_39 = tpu.memref_slice %arg12[%dma_start3A_37, %dma_start3A_38] : memref<10000x64xi32, #tpu.memory_space<vmem_shared>> -> memref<10000x64xi32, #tpu.memory_space<vmem_shared>>
    tpu.enqueue_indirect_dma source(%dma_start3A_39 : memref<10000x64xi32, #tpu.memory_space<vmem_shared>>) target(%arg10 : memref<128x64xi32, #tpu.memory_space<vmem>>) offsets(%dma_start3A_36 : memref<128xi32, #tpu.memory_space<vmem>>) semaphore(%arg17 : memref<!tpu.dma_semaphore, #tpu.memory_space<semaphore_mem>>)
    %dma_start3A_40 = tpu.memref_slice %arg7[%add3A_35] : memref<10112xi32, #tpu.memory_space<vmem>> -> memref<128xi32, #tpu.memory_space<vmem>>
    %dma_start3A_41 = arith.constant 0 : i32
    %dma_start3A_42 = arith.constant 0 : i32
    %dma_start3A_43 = tpu.memref_slice %arg12[%dma_start3A_41, %dma_start3A_42] : memref<10000x64xi32, #tpu.memory_space<vmem_shared>> -> memref<10000x64xi32, #tpu.memory_space<vmem_shared>>
    tpu.enqueue_indirect_dma source(%dma_start3A_43 : memref<10000x64xi32, #tpu.memory_space<vmem_shared>>) target(%arg11 : memref<128x64xi32, #tpu.memory_space<vmem>>) offsets(%dma_start3A_40 : memref<128xi32, #tpu.memory_space<vmem>>) semaphore(%arg17 : memref<!tpu.dma_semaphore, #tpu.memory_space<semaphore_mem>>)
    %scan3A = arith.constant 0 : i32
    %scan3A_44 = arith.constant 40 : i32
    %scan3A_45 = arith.addi %scan3A, %scan3A_44 : i32
    %scan3A_46 = arith.constant 1 : i32
    scf.for %scan3A_104 = %scan3A to %scan3A_45 step %scan3A_46  : i32 {
      %mul3A_105 = arith.constant 2 : i32
      %mul3A_106 = arith.muli %scan3A_104, %mul3A_105 : i32
      %add3A_107 = arith.constant 0 : i32
      %add3A_108 = arith.addi %add3A_107, %mul3A_106 : i32
      %add3A_109 = arith.constant 0 : i32
      %add3A_110 = arith.addi %add3A_108, %add3A_109 : i32
      %lt3A_111 = arith.cmpi slt, %add3A_110, %add3A_4 : i32
      %convert_element_type3A_112 = arith.extui %lt3A_111 : i1 to i32
      %cond3A_113 = arith.constant 0 : i32
      %cond3A_114 = arith.cmpi ne, %convert_element_type3A_112, %cond3A_113 : i32
      scf.if %cond3A_114 {
        %mul3A_121 = arith.constant 128 : i32
        %mul3A_122 = arith.muli %add3A_110, %mul3A_121 : i32
        %add3A_123 = arith.addi %sub3A, %mul3A_122 : i32
        %dma_wait3A_124 = tpu.memref_slice %arg6[%add3A_123] : memref<10112xi32, #tpu.memory_space<vmem>> -> memref<128xi32, #tpu.memory_space<vmem>>
        %dma_wait3A_125 = arith.constant 0 : i32
        %dma_wait3A_126 = arith.constant 0 : i32
        %dma_wait3A_127 = tpu.memref_slice %arg12[%dma_wait3A_125, %dma_wait3A_126] : memref<10000x64xi32, #tpu.memory_space<vmem_shared>> -> memref<10000x64xi32, #tpu.memory_space<vmem_shared>>
        tpu.wait_indirect_dma semaphore(%arg16 : memref<!tpu.dma_semaphore, #tpu.memory_space<semaphore_mem>>) src(%dma_wait3A_127 : memref<10000x64xi32, #tpu.memory_space<vmem_shared>>) dst(%arg8 : memref<128x64xi32, #tpu.memory_space<vmem>>)
        %dma_wait3A_128 = tpu.memref_slice %arg7[%add3A_123] : memref<10112xi32, #tpu.memory_space<vmem>> -> memref<128xi32, #tpu.memory_space<vmem>>
        %dma_wait3A_129 = arith.constant 0 : i32
        %dma_wait3A_130 = arith.constant 0 : i32
        %dma_wait3A_131 = tpu.memref_slice %arg12[%dma_wait3A_129, %dma_wait3A_130] : memref<10000x64xi32, #tpu.memory_space<vmem_shared>> -> memref<10000x64xi32, #tpu.memory_space<vmem_shared>>
        tpu.wait_indirect_dma semaphore(%arg16 : memref<!tpu.dma_semaphore, #tpu.memory_space<semaphore_mem>>) src(%dma_wait3A_131 : memref<10000x64xi32, #tpu.memory_space<vmem_shared>>) dst(%arg9 : memref<128x64xi32, #tpu.memory_space<vmem>>)
        %ge3A = arith.constant 2 : i32
        %ge3A_132 = arith.cmpi sge, %add3A_110, %ge3A : i32
        %convert_element_type3A_133 = arith.extui %ge3A_132 : i1 to i32
        %cond3A_134 = arith.constant 0 : i32
        %cond3A_135 = arith.cmpi ne, %convert_element_type3A_133, %cond3A_134 : i32
        scf.if %cond3A_135 {
          %sub3A_157 = arith.constant 2 : i32
          %sub3A_158 = arith.subi %add3A_110, %sub3A_157 : i32
          %mul3A_159 = arith.constant 128 : i32
          %mul3A_160 = arith.muli %sub3A_158, %mul3A_159 : i32
          %add3A_161 = arith.addi %mul3A_10, %mul3A_160 : i32
          %dma_wait3A_162 = tpu.memref_slice %arg5[%add3A_161] : memref<320000xf32, #tpu.memory_space<hbm>> -> memref<128xf32, #tpu.memory_space<hbm>>
          %dma_wait3A_163 = tpu.memref_slice %arg5[%add3A_161] : memref<320000xf32, #tpu.memory_space<hbm>> -> memref<128xf32, #tpu.memory_space<hbm>>
          tpu.wait_dma2 semaphore(%arg18 : memref<!tpu.dma_semaphore, #tpu.memory_space<semaphore_mem>>) src(%arg14 : memref<128xf32, #tpu.memory_space<vmem>>) dst(%dma_wait3A_163 : memref<128xf32, #tpu.memory_space<hbm>>)
        } else {
        }
        %scan3A_136 = arith.constant 0 : i32
        %scan3A_137 = arith.constant 16 : i32
        %scan3A_138 = arith.addi %scan3A_136, %scan3A_137 : i32
        %scan3A_139 = arith.constant 1 : i32
        scf.for %scan3A_157 = %scan3A_136 to %scan3A_138 step %scan3A_139  : i32 {
          %mul3A_158 = arith.constant 8 : i32
          %mul3A_159 = arith.muli %scan3A_157, %mul3A_158 : i32
          %add3A_160 = arith.constant 0 : i32
          %add3A_161 = arith.addi %add3A_160, %mul3A_159 : i32
          %add3A_162 = arith.constant 0 : i32
          %add3A_163 = arith.addi %add3A_161, %add3A_162 : i32
          %get3A = arith.index_cast %add3A_163 : i32 to index
          %get3A_164 = arith.constant 0 : index
          %get3A_165 = tpu.vector_load %arg8[%get3A, %get3A_164] {strides = array<i32>} : memref<128x64xi32, #tpu.memory_space<vmem>>, vector<16xi32>,
          %bitcast3A = vector.bitcast %get3A_165 : vector<16xi32> to vector<32xbf16>
          %get3A_166 = arith.index_cast %add3A_163 : i32 to index
          %get3A_167 = arith.constant 0 : index
          %get3A_168 = tpu.vector_load %arg9[%get3A_166, %get3A_167] {strides = array<i32>} : memref<128x64xi32, #tpu.memory_space<vmem>>, vector<16xi32>,
          %bitcast3A_169 = vector.bitcast %get3A_168 : vector<16xi32> to vector<32xbf16>
          %mul3A_170 = arith.mulf %bitcast3A, %bitcast3A_169 : vector<32xbf16>
          %get3A_171 = arith.index_cast %add3A_163 : i32 to index
          %get3A_172 = arith.constant 16 : index
          %get3A_173 = tpu.vector_load %arg8[%get3A_171, %get3A_172] {strides = array<i32>} : memref<128x64xi32, #tpu.memory_space<vmem>>, vector<16xi32>,
          %bitcast3A_174 = vector.bitcast %get3A_173 : vector<16xi32> to vector<32xbf16>
          %get3A_175 = arith.index_cast %add3A_163 : i32 to index
          %get3A_176 = arith.constant 16 : index
          %get3A_177 = tpu.vector_load %arg9[%get3A_175, %get3A_176] {strides = array<i32>} : memref<128x64xi32, #tpu.memory_space<vmem>>, vector<16xi32>,
          %bitcast3A_178 = vector.bitcast %get3A_177 : vector<16xi32> to vector<32xbf16>
          %mul3A_179 = arith.mulf %bitcast3A_174, %bitcast3A_178 : vector<32xbf16>
          %add3A_180 = arith.addf %mul3A_170, %mul3A_179 : vector<32xbf16>
          %get3A_181 = arith.index_cast %add3A_163 : i32 to index
          %get3A_182 = arith.constant 32 : index
          %get3A_183 = tpu.vector_load %arg8[%get3A_181, %get3A_182] {strides = array<i32>} : memref<128x64xi32, #tpu.memory_space<vmem>>, vector<16xi32>,
          %bitcast3A_184 = vector.bitcast %get3A_183 : vector<16xi32> to vector<32xbf16>
          %get3A_185 = arith.index_cast %add3A_163 : i32 to index
          %get3A_186 = arith.constant 32 : index
          %get3A_187 = tpu.vector_load %arg9[%get3A_185, %get3A_186] {strides = array<i32>} : memref<128x64xi32, #tpu.memory_space<vmem>>, vector<16xi32>,
          %bitcast3A_188 = vector.bitcast %get3A_187 : vector<16xi32> to vector<32xbf16>
          %mul3A_189 = arith.mulf %bitcast3A_184, %bitcast3A_188 : vector<32xbf16>
          %add3A_190 = arith.addf %add3A_180, %mul3A_189 : vector<32xbf16>
          %get3A_191 = arith.index_cast %add3A_163 : i32 to index
          %get3A_192 = arith.constant 48 : index
          %get3A_193 = tpu.vector_load %arg8[%get3A_191, %get3A_192] {strides = array<i32>} : memref<128x64xi32, #tpu.memory_space<vmem>>, vector<16xi32>,
          %bitcast3A_194 = vector.bitcast %get3A_193 : vector<16xi32> to vector<32xbf16>
          %get3A_195 = arith.index_cast %add3A_163 : i32 to index
          %get3A_196 = arith.constant 48 : index
          %get3A_197 = tpu.vector_load %arg9[%get3A_195, %get3A_196] {strides = array<i32>} : memref<128x64xi32, #tpu.memory_space<vmem>>, vector<16xi32>,
          %bitcast3A_198 = vector.bitcast %get3A_197 : vector<16xi32> to vector<32xbf16>
          %mul3A_199 = arith.mulf %bitcast3A_194, %bitcast3A_198 : vector<32xbf16>
          %add3A_200 = arith.addf %add3A_190, %mul3A_199 : vector<32xbf16>
          %unpack3A = tpu.unpack_subelements %add3A_200, 0 {pack_format = #tpu.pack_format<interleaved>} : vector<32xbf16> -> vector<16xf32>
          %unpack3A_201 = tpu.unpack_subelements %add3A_200, 1 {pack_format = #tpu.pack_format<interleaved>} : vector<32xbf16> -> vector<16xf32>
          %add3A_202 = arith.addf %unpack3A, %unpack3A_201 : vector<16xf32>
          %add3A_203 = arith.constant 0 : i32
          %add3A_204 = arith.addi %add3A_161, %add3A_203 : i32
          %mul3A_205 = arith.constant 16 : i32
          %mul3A_206 = arith.muli %add3A_204, %mul3A_205 : i32
          %swap3A = arith.index_cast %mul3A_206 : i32 to index
          %swap3A_207 = tpu.vector_load %arg13[%swap3A] {strides = array<i32>} : memref<2048xf32, #tpu.memory_space<vmem>>, vector<16xf32>,
          tpu.vector_store %arg13[%swap3A], %add3A_202 {strides = array<i32>} : memref<2048xf32, #tpu.memory_space<vmem>>, vector<16xf32>,
          %add3A_208 = arith.constant 1 : i32
          %add3A_209 = arith.addi %add3A_161, %add3A_208 : i32
          %get3A_210 = arith.index_cast %add3A_209 : i32 to index
          %get3A_211 = arith.constant 0 : index
          %get3A_212 = tpu.vector_load %arg8[%get3A_210, %get3A_211] {strides = array<i32>} : memref<128x64xi32, #tpu.memory_space<vmem>>, vector<16xi32>,
          %bitcast3A_213 = vector.bitcast %get3A_212 : vector<16xi32> to vector<32xbf16>
          %get3A_214 = arith.index_cast %add3A_209 : i32 to index
          %get3A_215 = arith.constant 0 : index
          %get3A_216 = tpu.vector_load %arg9[%get3A_214, %get3A_215] {strides = array<i32>} : memref<128x64xi32, #tpu.memory_space<vmem>>, vector<16xi32>,
          %bitcast3A_217 = vector.bitcast %get3A_216 : vector<16xi32> to vector<32xbf16>
          %mul3A_218 = arith.mulf %bitcast3A_213, %bitcast3A_217 : vector<32xbf16>
          %get3A_219 = arith.index_cast %add3A_209 : i32 to index
          %get3A_220 = arith.constant 16 : index
          %get3A_221 = tpu.vector_load %arg8[%get3A_219, %get3A_220] {strides = array<i32>} : memref<128x64xi32, #tpu.memory_space<vmem>>, vector<16xi32>,
          %bitcast3A_222 = vector.bitcast %get3A_221 : vector<16xi32> to vector<32xbf16>
          %get3A_223 = arith.index_cast %add3A_209 : i32 to index
          %get3A_224 = arith.constant 16 : index
          %get3A_225 = tpu.vector_load %arg9[%get3A_223, %get3A_224] {strides = array<i32>} : memref<128x64xi32, #tpu.memory_space<vmem>>, vector<16xi32>,
          %bitcast3A_226 = vector.bitcast %get3A_225 : vector<16xi32> to vector<32xbf16>
          %mul3A_227 = arith.mulf %bitcast3A_222, %bitcast3A_226 : vector<32xbf16>
          %add3A_228 = arith.addf %mul3A_218, %mul3A_227 : vector<32xbf16>
          %get3A_229 = arith.index_cast %add3A_209 : i32 to index
          %get3A_230 = arith.constant 32 : index
          %get3A_231 = tpu.vector_load %arg8[%get3A_229, %get3A_230] {strides = array<i32>} : memref<128x64xi32, #tpu.memory_space<vmem>>, vector<16xi32>,
          %bitcast3A_232 = vector.bitcast %get3A_231 : vector<16xi32> to vector<32xbf16>
          %get3A_233 = arith.index_cast %add3A_209 : i32 to index
          %get3A_234 = arith.constant 32 : index
          %get3A_235 = tpu.vector_load %arg9[%get3A_233, %get3A_234] {strides = array<i32>} : memref<128x64xi32, #tpu.memory_space<vmem>>, vector<16xi32>,
          %bitcast3A_236 = vector.bitcast %get3A_235 : vector<16xi32> to vector<32xbf16>
          %mul3A_237 = arith.mulf %bitcast3A_232, %bitcast3A_236 : vector<32xbf16>
          %add3A_238 = arith.addf %add3A_228, %mul3A_237 : vector<32xbf16>
          %get3A_239 = arith.index_cast %add3A_209 : i32 to index
          %get3A_240 = arith.constant 48 : index
          %get3A_241 = tpu.vector_load %arg8[%get3A_239, %get3A_240] {strides = array<i32>} : memref<128x64xi32, #tpu.memory_space<vmem>>, vector<16xi32>,
          %bitcast3A_242 = vector.bitcast %get3A_241 : vector<16xi32> to vector<32xbf16>
          %get3A_243 = arith.index_cast %add3A_209 : i32 to index
          %get3A_244 = arith.constant 48 : index
          %get3A_245 = tpu.vector_load %arg9[%get3A_243, %get3A_244] {strides = array<i32>} : memref<128x64xi32, #tpu.memory_space<vmem>>, vector<16xi32>,
          %bitcast3A_246 = vector.bitcast %get3A_245 : vector<16xi32> to vector<32xbf16>
          %mul3A_247 = arith.mulf %bitcast3A_242, %bitcast3A_246 : vector<32xbf16>
          %add3A_248 = arith.addf %add3A_238, %mul3A_247 : vector<32xbf16>
          %unpack3A_249 = tpu.unpack_subelements %add3A_248, 0 {pack_format = #tpu.pack_format<interleaved>} : vector<32xbf16> -> vector<16xf32>
          %unpack3A_250 = tpu.unpack_subelements %add3A_248, 1 {pack_format = #tpu.pack_format<interleaved>} : vector<32xbf16> -> vector<16xf32>
          %add3A_251 = arith.addf %unpack3A_249, %unpack3A_250 : vector<16xf32>
          %add3A_252 = arith.constant 1 : i32
          %add3A_253 = arith.addi %add3A_161, %add3A_252 : i32
          %mul3A_254 = arith.constant 16 : i32
          %mul3A_255 = arith.muli %add3A_253, %mul3A_254 : i32
          %swap3A_256 = arith.index_cast %mul3A_255 : i32 to index
          %swap3A_257 = tpu.vector_load %arg13[%swap3A_256] {strides = array<i32>} : memref<2048xf32, #tpu.memory_space<vmem>>, vector<16xf32>,
          tpu.vector_store %arg13[%swap3A_256], %add3A_251 {strides = array<i32>} : memref<2048xf32, #tpu.memory_space<vmem>>, vector<16xf32>,
          %add3A_258 = arith.constant 2 : i32
          %add3A_259 = arith.addi %add3A_161, %add3A_258 : i32
          %get3A_260 = arith.index_cast %add3A_259 : i32 to index
          %get3A_261 = arith.constant 0 : index
          %get3A_262 = tpu.vector_load %arg8[%get3A_260, %get3A_261] {strides = array<i32>} : memref<128x64xi32, #tpu.memory_space<vmem>>, vector<16xi32>,
          %bitcast3A_263 = vector.bitcast %get3A_262 : vector<16xi32> to vector<32xbf16>
          %get3A_264 = arith.index_cast %add3A_259 : i32 to index
          %get3A_265 = arith.constant 0 : index
          %get3A_266 = tpu.vector_load %arg9[%get3A_264, %get3A_265] {strides = array<i32>} : memref<128x64xi32, #tpu.memory_space<vmem>>, vector<16xi32>,
          %bitcast3A_267 = vector.bitcast %get3A_266 : vector<16xi32> to vector<32xbf16>
          %mul3A_268 = arith.mulf %bitcast3A_263, %bitcast3A_267 : vector<32xbf16>
          %get3A_269 = arith.index_cast %add3A_259 : i32 to index
          %get3A_270 = arith.constant 16 : index
          %get3A_271 = tpu.vector_load %arg8[%get3A_269, %get3A_270] {strides = array<i32>} : memref<128x64xi32, #tpu.memory_space<vmem>>, vector<16xi32>,
          %bitcast3A_272 = vector.bitcast %get3A_271 : vector<16xi32> to vector<32xbf16>
          %get3A_273 = arith.index_cast %add3A_259 : i32 to index
          %get3A_274 = arith.constant 16 : index
          %get3A_275 = tpu.vector_load %arg9[%get3A_273, %get3A_274] {strides = array<i32>} : memref<128x64xi32, #tpu.memory_space<vmem>>, vector<16xi32>,
          %bitcast3A_276 = vector.bitcast %get3A_275 : vector<16xi32> to vector<32xbf16>
          %mul3A_277 = arith.mulf %bitcast3A_272, %bitcast3A_276 : vector<32xbf16>
          %add3A_278 = arith.addf %mul3A_268, %mul3A_277 : vector<32xbf16>
          %get3A_279 = arith.index_cast %add3A_259 : i32 to index
          %get3A_280 = arith.constant 32 : index
          %get3A_281 = tpu.vector_load %arg8[%get3A_279, %get3A_280] {strides = array<i32>} : memref<128x64xi32, #tpu.memory_space<vmem>>, vector<16xi32>,
          %bitcast3A_282 = vector.bitcast %get3A_281 : vector<16xi32> to vector<32xbf16>
          %get3A_283 = arith.index_cast %add3A_259 : i32 to index
          %get3A_284 = arith.constant 32 : index
          %get3A_285 = tpu.vector_load %arg9[%get3A_283, %get3A_284] {strides = array<i32>} : memref<128x64xi32, #tpu.memory_space<vmem>>, vector<16xi32>,
          %bitcast3A_286 = vector.bitcast %get3A_285 : vector<16xi32> to vector<32xbf16>
          %mul3A_287 = arith.mulf %bitcast3A_282, %bitcast3A_286 : vector<32xbf16>
          %add3A_288 = arith.addf %add3A_278, %mul3A_287 : vector<32xbf16>
          %get3A_289 = arith.index_cast %add3A_259 : i32 to index
          %get3A_290 = arith.constant 48 : index
          %get3A_291 = tpu.vector_load %arg8[%get3A_289, %get3A_290] {strides = array<i32>} : memref<128x64xi32, #tpu.memory_space<vmem>>, vector<16xi32>,
          %bitcast3A_292 = vector.bitcast %get3A_291 : vector<16xi32> to vector<32xbf16>
          %get3A_293 = arith.index_cast %add3A_259 : i32 to index
          %get3A_294 = arith.constant 48 : index
          %get3A_295 = tpu.vector_load %arg9[%get3A_293, %get3A_294] {strides = array<i32>} : memref<128x64xi32, #tpu.memory_space<vmem>>, vector<16xi32>,
          %bitcast3A_296 = vector.bitcast %get3A_295 : vector<16xi32> to vector<32xbf16>
          %mul3A_297 = arith.mulf %bitcast3A_292, %bitcast3A_296 : vector<32xbf16>
          %add3A_298 = arith.addf %add3A_288, %mul3A_297 : vector<32xbf16>
          %unpack3A_299 = tpu.unpack_subelements %add3A_298, 0 {pack_format = #tpu.pack_format<interleaved>} : vector<32xbf16> -> vector<16xf32>
          %unpack3A_300 = tpu.unpack_subelements %add3A_298, 1 {pack_format = #tpu.pack_format<interleaved>} : vector<32xbf16> -> vector<16xf32>
          %add3A_301 = arith.addf %unpack3A_299, %unpack3A_300 : vector<16xf32>
          %add3A_302 = arith.constant 2 : i32
          %add3A_303 = arith.addi %add3A_161, %add3A_302 : i32
          %mul3A_304 = arith.constant 16 : i32
          %mul3A_305 = arith.muli %add3A_303, %mul3A_304 : i32
          %swap3A_306 = arith.index_cast %mul3A_305 : i32 to index
          %swap3A_307 = tpu.vector_load %arg13[%swap3A_306] {strides = array<i32>} : memref<2048xf32, #tpu.memory_space<vmem>>, vector<16xf32>,
          tpu.vector_store %arg13[%swap3A_306], %add3A_301 {strides = array<i32>} : memref<2048xf32, #tpu.memory_space<vmem>>, vector<16xf32>,
          %add3A_308 = arith.constant 3 : i32
          %add3A_309 = arith.addi %add3A_161, %add3A_308 : i32
          %get3A_310 = arith.index_cast %add3A_309 : i32 to index
          %get3A_311 = arith.constant 0 : index
          %get3A_312 = tpu.vector_load %arg8[%get3A_310, %get3A_311] {strides = array<i32>} : memref<128x64xi32, #tpu.memory_space<vmem>>, vector<16xi32>,
          %bitcast3A_313 = vector.bitcast %get3A_312 : vector<16xi32> to vector<32xbf16>
          %get3A_314 = arith.index_cast %add3A_309 : i32 to index
          %get3A_315 = arith.constant 0 : index
          %get3A_316 = tpu.vector_load %arg9[%get3A_314, %get3A_315] {strides = array<i32>} : memref<128x64xi32, #tpu.memory_space<vmem>>, vector<16xi32>,
          %bitcast3A_317 = vector.bitcast %get3A_316 : vector<16xi32> to vector<32xbf16>
          %mul3A_318 = arith.mulf %bitcast3A_313, %bitcast3A_317 : vector<32xbf16>
          %get3A_319 = arith.index_cast %add3A_309 : i32 to index
          %get3A_320 = arith.constant 16 : index
          %get3A_321 = tpu.vector_load %arg8[%get3A_319, %get3A_320] {strides = array<i32>} : memref<128x64xi32, #tpu.memory_space<vmem>>, vector<16xi32>,
          %bitcast3A_322 = vector.bitcast %get3A_321 : vector<16xi32> to vector<32xbf16>
          %get3A_323 = arith.index_cast %add3A_309 : i32 to index
          %get3A_324 = arith.constant 16 : index
          %get3A_325 = tpu.vector_load %arg9[%get3A_323, %get3A_324] {strides = array<i32>} : memref<128x64xi32, #tpu.memory_space<vmem>>, vector<16xi32>,
          %bitcast3A_326 = vector.bitcast %get3A_325 : vector<16xi32> to vector<32xbf16>
          %mul3A_327 = arith.mulf %bitcast3A_322, %bitcast3A_326 : vector<32xbf16>
          %add3A_328 = arith.addf %mul3A_318, %mul3A_327 : vector<32xbf16>
          %get3A_329 = arith.index_cast %add3A_309 : i32 to index
          %get3A_330 = arith.constant 32 : index
          %get3A_331 = tpu.vector_load %arg8[%get3A_329, %get3A_330] {strides = array<i32>} : memref<128x64xi32, #tpu.memory_space<vmem>>, vector<16xi32>,
          %bitcast3A_332 = vector.bitcast %get3A_331 : vector<16xi32> to vector<32xbf16>
          %get3A_333 = arith.index_cast %add3A_309 : i32 to index
          %get3A_334 = arith.constant 32 : index
          %get3A_335 = tpu.vector_load %arg9[%get3A_333, %get3A_334] {strides = array<i32>} : memref<128x64xi32, #tpu.memory_space<vmem>>, vector<16xi32>,
          %bitcast3A_336 = vector.bitcast %get3A_335 : vector<16xi32> to vector<32xbf16>
          %mul3A_337 = arith.mulf %bitcast3A_332, %bitcast3A_336 : vector<32xbf16>
          %add3A_338 = arith.addf %add3A_328, %mul3A_337 : vector<32xbf16>
          %get3A_339 = arith.index_cast %add3A_309 : i32 to index
          %get3A_340 = arith.constant 48 : index
          %get3A_341 = tpu.vector_load %arg8[%get3A_339, %get3A_340] {strides = array<i32>} : memref<128x64xi32, #tpu.memory_space<vmem>>, vector<16xi32>,
          %bitcast3A_342 = vector.bitcast %get3A_341 : vector<16xi32> to vector<32xbf16>
          %get3A_343 = arith.index_cast %add3A_309 : i32 to index
          %get3A_344 = arith.constant 48 : index
          %get3A_345 = tpu.vector_load %arg9[%get3A_343, %get3A_344] {strides = array<i32>} : memref<128x64xi32, #tpu.memory_space<vmem>>, vector<16xi32>,
          %bitcast3A_346 = vector.bitcast %get3A_345 : vector<16xi32> to vector<32xbf16>
          %mul3A_347 = arith.mulf %bitcast3A_342, %bitcast3A_346 : vector<32xbf16>
          %add3A_348 = arith.addf %add3A_338, %mul3A_347 : vector<32xbf16>
          %unpack3A_349 = tpu.unpack_subelements %add3A_348, 0 {pack_format = #tpu.pack_format<interleaved>} : vector<32xbf16> -> vector<16xf32>
          %unpack3A_350 = tpu.unpack_subelements %add3A_348, 1 {pack_format = #tpu.pack_format<interleaved>} : vector<32xbf16> -> vector<16xf32>
          %add3A_351 = arith.addf %unpack3A_349, %unpack3A_350 : vector<16xf32>
          %add3A_352 = arith.constant 3 : i32
          %add3A_353 = arith.addi %add3A_161, %add3A_352 : i32
          %mul3A_354 = arith.constant 16 : i32
          %mul3A_355 = arith.muli %add3A_353, %mul3A_354 : i32
          %swap3A_356 = arith.index_cast %mul3A_355 : i32 to index
          %swap3A_357 = tpu.vector_load %arg13[%swap3A_356] {strides = array<i32>} : memref<2048xf32, #tpu.memory_space<vmem>>, vector<16xf32>,
          tpu.vector_store %arg13[%swap3A_356], %add3A_351 {strides = array<i32>} : memref<2048xf32, #tpu.memory_space<vmem>>, vector<16xf32>,
          %add3A_358 = arith.constant 4 : i32
          %add3A_359 = arith.addi %add3A_161, %add3A_358 : i32
          %get3A_360 = arith.index_cast %add3A_359 : i32 to index
          %get3A_361 = arith.constant 0 : index
          %get3A_362 = tpu.vector_load %arg8[%get3A_360, %get3A_361] {strides = array<i32>} : memref<128x64xi32, #tpu.memory_space<vmem>>, vector<16xi32>,
          %bitcast3A_363 = vector.bitcast %get3A_362 : vector<16xi32> to vector<32xbf16>
          %get3A_364 = arith.index_cast %add3A_359 : i32 to index
          %get3A_365 = arith.constant 0 : index
          %get3A_366 = tpu.vector_load %arg9[%get3A_364, %get3A_365] {strides = array<i32>} : memref<128x64xi32, #tpu.memory_space<vmem>>, vector<16xi32>,
          %bitcast3A_367 = vector.bitcast %get3A_366 : vector<16xi32> to vector<32xbf16>
          %mul3A_368 = arith.mulf %bitcast3A_363, %bitcast3A_367 : vector<32xbf16>
          %get3A_369 = arith.index_cast %add3A_359 : i32 to index
          %get3A_370 = arith.constant 16 : index
          %get3A_371 = tpu.vector_load %arg8[%get3A_369, %get3A_370] {strides = array<i32>} : memref<128x64xi32, #tpu.memory_space<vmem>>, vector<16xi32>,
          %bitcast3A_372 = vector.bitcast %get3A_371 : vector<16xi32> to vector<32xbf16>
          %get3A_373 = arith.index_cast %add3A_359 : i32 to index
          %get3A_374 = arith.constant 16 : index
          %get3A_375 = tpu.vector_load %arg9[%get3A_373, %get3A_374] {strides = array<i32>} : memref<128x64xi32, #tpu.memory_space<vmem>>, vector<16xi32>,
          %bitcast3A_376 = vector.bitcast %get3A_375 : vector<16xi32> to vector<32xbf16>
          %mul3A_377 = arith.mulf %bitcast3A_372, %bitcast3A_376 : vector<32xbf16>
          %add3A_378 = arith.addf %mul3A_368, %mul3A_377 : vector<32xbf16>
          %get3A_379 = arith.index_cast %add3A_359 : i32 to index
          %get3A_380 = arith.constant 32 : index
          %get3A_381 = tpu.vector_load %arg8[%get3A_379, %get3A_380] {strides = array<i32>} : memref<128x64xi32, #tpu.memory_space<vmem>>, vector<16xi32>,
          %bitcast3A_382 = vector.bitcast %get3A_381 : vector<16xi32> to vector<32xbf16>
          %get3A_383 = arith.index_cast %add3A_359 : i32 to index
          %get3A_384 = arith.constant 32 : index
          %get3A_385 = tpu.vector_load %arg9[%get3A_383, %get3A_384] {strides = array<i32>} : memref<128x64xi32, #tpu.memory_space<vmem>>, vector<16xi32>,
          %bitcast3A_386 = vector.bitcast %get3A_385 : vector<16xi32> to vector<32xbf16>
          %mul3A_387 = arith.mulf %bitcast3A_382, %bitcast3A_386 : vector<32xbf16>
          %add3A_388 = arith.addf %add3A_378, %mul3A_387 : vector<32xbf16>
          %get3A_389 = arith.index_cast %add3A_359 : i32 to index
          %get3A_390 = arith.constant 48 : index
          %get3A_391 = tpu.vector_load %arg8[%get3A_389, %get3A_390] {strides = array<i32>} : memref<128x64xi32, #tpu.memory_space<vmem>>, vector<16xi32>,
          %bitcast3A_392 = vector.bitcast %get3A_391 : vector<16xi32> to vector<32xbf16>
          %get3A_393 = arith.index_cast %add3A_359 : i32 to index
          %get3A_394 = arith.constant 48 : index
          %get3A_395 = tpu.vector_load %arg9[%get3A_393, %get3A_394] {strides = array<i32>} : memref<128x64xi32, #tpu.memory_space<vmem>>, vector<16xi32>,
          %bitcast3A_396 = vector.bitcast %get3A_395 : vector<16xi32> to vector<32xbf16>
          %mul3A_397 = arith.mulf %bitcast3A_392, %bitcast3A_396 : vector<32xbf16>
          %add3A_398 = arith.addf %add3A_388, %mul3A_397 : vector<32xbf16>
          %unpack3A_399 = tpu.unpack_subelements %add3A_398, 0 {pack_format = #tpu.pack_format<interleaved>} : vector<32xbf16> -> vector<16xf32>
          %unpack3A_400 = tpu.unpack_subelements %add3A_398, 1 {pack_format = #tpu.pack_format<interleaved>} : vector<32xbf16> -> vector<16xf32>
          %add3A_401 = arith.addf %unpack3A_399, %unpack3A_400 : vector<16xf32>
          %add3A_402 = arith.constant 4 : i32
          %add3A_403 = arith.addi %add3A_161, %add3A_402 : i32
          %mul3A_404 = arith.constant 16 : i32
          %mul3A_405 = arith.muli %add3A_403, %mul3A_404 : i32
          %swap3A_406 = arith.index_cast %mul3A_405 : i32 to index
          %swap3A_407 = tpu.vector_load %arg13[%swap3A_406] {strides = array<i32>} : memref<2048xf32, #tpu.memory_space<vmem>>, vector<16xf32>,
          tpu.vector_store %arg13[%swap3A_406], %add3A_401 {strides = array<i32>} : memref<2048xf32, #tpu.memory_space<vmem>>, vector<16xf32>,
          %add3A_408 = arith.constant 5 : i32
          %add3A_409 = arith.addi %add3A_161, %add3A_408 : i32
          %get3A_410 = arith.index_cast %add3A_409 : i32 to index
          %get3A_411 = arith.constant 0 : index
          %get3A_412 = tpu.vector_load %arg8[%get3A_410, %get3A_411] {strides = array<i32>} : memref<128x64xi32, #tpu.memory_space<vmem>>, vector<16xi32>,
          %bitcast3A_413 = vector.bitcast %get3A_412 : vector<16xi32> to vector<32xbf16>
          %get3A_414 = arith.index_cast %add3A_409 : i32 to index
          %get3A_415 = arith.constant 0 : index
          %get3A_416 = tpu.vector_load %arg9[%get3A_414, %get3A_415] {strides = array<i32>} : memref<128x64xi32, #tpu.memory_space<vmem>>, vector<16xi32>,
          %bitcast3A_417 = vector.bitcast %get3A_416 : vector<16xi32> to vector<32xbf16>
          %mul3A_418 = arith.mulf %bitcast3A_413, %bitcast3A_417 : vector<32xbf16>
          %get3A_419 = arith.index_cast %add3A_409 : i32 to index
          %get3A_420 = arith.constant 16 : index
          %get3A_421 = tpu.vector_load %arg8[%get3A_419, %get3A_420] {strides = array<i32>} : memref<128x64xi32, #tpu.memory_space<vmem>>, vector<16xi32>,
          %bitcast3A_422 = vector.bitcast %get3A_421 : vector<16xi32> to vector<32xbf16>
          %get3A_423 = arith.index_cast %add3A_409 : i32 to index
          %get3A_424 = arith.constant 16 : index
          %get3A_425 = tpu.vector_load %arg9[%get3A_423, %get3A_424] {strides = array<i32>} : memref<128x64xi32, #tpu.memory_space<vmem>>, vector<16xi32>,
          %bitcast3A_426 = vector.bitcast %get3A_425 : vector<16xi32> to vector<32xbf16>
          %mul3A_427 = arith.mulf %bitcast3A_422, %bitcast3A_426 : vector<32xbf16>
          %add3A_428 = arith.addf %mul3A_418, %mul3A_427 : vector<32xbf16>
          %get3A_429 = arith.index_cast %add3A_409 : i32 to index
          %get3A_430 = arith.constant 32 : index
          %get3A_431 = tpu.vector_load %arg8[%get3A_429, %get3A_430] {strides = array<i32>} : memref<128x64xi32, #tpu.memory_space<vmem>>, vector<16xi32>,
          %bitcast3A_432 = vector.bitcast %get3A_431 : vector<16xi32> to vector<32xbf16>
          %get3A_433 = arith.index_cast %add3A_409 : i32 to index
          %get3A_434 = arith.constant 32 : index
          %get3A_435 = tpu.vector_load %arg9[%get3A_433, %get3A_434] {strides = array<i32>} : memref<128x64xi32, #tpu.memory_space<vmem>>, vector<16xi32>,
          %bitcast3A_436 = vector.bitcast %get3A_435 : vector<16xi32> to vector<32xbf16>
          %mul3A_437 = arith.mulf %bitcast3A_432, %bitcast3A_436 : vector<32xbf16>
          %add3A_438 = arith.addf %add3A_428, %mul3A_437 : vector<32xbf16>
          %get3A_439 = arith.index_cast %add3A_409 : i32 to index
          %get3A_440 = arith.constant 48 : index
          %get3A_441 = tpu.vector_load %arg8[%get3A_439, %get3A_440] {strides = array<i32>} : memref<128x64xi32, #tpu.memory_space<vmem>>, vector<16xi32>,
          %bitcast3A_442 = vector.bitcast %get3A_441 : vector<16xi32> to vector<32xbf16>
          %get3A_443 = arith.index_cast %add3A_409 : i32 to index
          %get3A_444 = arith.constant 48 : index
          %get3A_445 = tpu.vector_load %arg9[%get3A_443, %get3A_444] {strides = array<i32>} : memref<128x64xi32, #tpu.memory_space<vmem>>, vector<16xi32>,
          %bitcast3A_446 = vector.bitcast %get3A_445 : vector<16xi32> to vector<32xbf16>
          %mul3A_447 = arith.mulf %bitcast3A_442, %bitcast3A_446 : vector<32xbf16>
          %add3A_448 = arith.addf %add3A_438, %mul3A_447 : vector<32xbf16>
          %unpack3A_449 = tpu.unpack_subelements %add3A_448, 0 {pack_format = #tpu.pack_format<interleaved>} : vector<32xbf16> -> vector<16xf32>
          %unpack3A_450 = tpu.unpack_subelements %add3A_448, 1 {pack_format = #tpu.pack_format<interleaved>} : vector<32xbf16> -> vector<16xf32>
          %add3A_451 = arith.addf %unpack3A_449, %unpack3A_450 : vector<16xf32>
          %add3A_452 = arith.constant 5 : i32
          %add3A_453 = arith.addi %add3A_161, %add3A_452 : i32
          %mul3A_454 = arith.constant 16 : i32
          %mul3A_455 = arith.muli %add3A_453, %mul3A_454 : i32
          %swap3A_456 = arith.index_cast %mul3A_455 : i32 to index
          %swap3A_457 = tpu.vector_load %arg13[%swap3A_456] {strides = array<i32>} : memref<2048xf32, #tpu.memory_space<vmem>>, vector<16xf32>,
          tpu.vector_store %arg13[%swap3A_456], %add3A_451 {strides = array<i32>} : memref<2048xf32, #tpu.memory_space<vmem>>, vector<16xf32>,
          %add3A_458 = arith.constant 6 : i32
          %add3A_459 = arith.addi %add3A_161, %add3A_458 : i32
          %get3A_460 = arith.index_cast %add3A_459 : i32 to index
          %get3A_461 = arith.constant 0 : index
          %get3A_462 = tpu.vector_load %arg8[%get3A_460, %get3A_461] {strides = array<i32>} : memref<128x64xi32, #tpu.memory_space<vmem>>, vector<16xi32>,
          %bitcast3A_463 = vector.bitcast %get3A_462 : vector<16xi32> to vector<32xbf16>
          %get3A_464 = arith.index_cast %add3A_459 : i32 to index
          %get3A_465 = arith.constant 0 : index
          %get3A_466 = tpu.vector_load %arg9[%get3A_464, %get3A_465] {strides = array<i32>} : memref<128x64xi32, #tpu.memory_space<vmem>>, vector<16xi32>,
          %bitcast3A_467 = vector.bitcast %get3A_466 : vector<16xi32> to vector<32xbf16>
          %mul3A_468 = arith.mulf %bitcast3A_463, %bitcast3A_467 : vector<32xbf16>
          %get3A_469 = arith.index_cast %add3A_459 : i32 to index
          %get3A_470 = arith.constant 16 : index
          %get3A_471 = tpu.vector_load %arg8[%get3A_469, %get3A_470] {strides = array<i32>} : memref<128x64xi32, #tpu.memory_space<vmem>>, vector<16xi32>,
          %bitcast3A_472 = vector.bitcast %get3A_471 : vector<16xi32> to vector<32xbf16>
          %get3A_473 = arith.index_cast %add3A_459 : i32 to index
          %get3A_474 = arith.constant 16 : index
          %get3A_475 = tpu.vector_load %arg9[%get3A_473, %get3A_474] {strides = array<i32>} : memref<128x64xi32, #tpu.memory_space<vmem>>, vector<16xi32>,
          %bitcast3A_476 = vector.bitcast %get3A_475 : vector<16xi32> to vector<32xbf16>
          %mul3A_477 = arith.mulf %bitcast3A_472, %bitcast3A_476 : vector<32xbf16>
          %add3A_478 = arith.addf %mul3A_468, %mul3A_477 : vector<32xbf16>
          %get3A_479 = arith.index_cast %add3A_459 : i32 to index
          %get3A_480 = arith.constant 32 : index
          %get3A_481 = tpu.vector_load %arg8[%get3A_479, %get3A_480] {strides = array<i32>} : memref<128x64xi32, #tpu.memory_space<vmem>>, vector<16xi32>,
          %bitcast3A_482 = vector.bitcast %get3A_481 : vector<16xi32> to vector<32xbf16>
          %get3A_483 = arith.index_cast %add3A_459 : i32 to index
          %get3A_484 = arith.constant 32 : index
          %get3A_485 = tpu.vector_load %arg9[%get3A_483, %get3A_484] {strides = array<i32>} : memref<128x64xi32, #tpu.memory_space<vmem>>, vector<16xi32>,
          %bitcast3A_486 = vector.bitcast %get3A_485 : vector<16xi32> to vector<32xbf16>
          %mul3A_487 = arith.mulf %bitcast3A_482, %bitcast3A_486 : vector<32xbf16>
          %add3A_488 = arith.addf %add3A_478, %mul3A_487 : vector<32xbf16>
          %get3A_489 = arith.index_cast %add3A_459 : i32 to index
          %get3A_490 = arith.constant 48 : index
          %get3A_491 = tpu.vector_load %arg8[%get3A_489, %get3A_490] {strides = array<i32>} : memref<128x64xi32, #tpu.memory_space<vmem>>, vector<16xi32>,
          %bitcast3A_492 = vector.bitcast %get3A_491 : vector<16xi32> to vector<32xbf16>
          %get3A_493 = arith.index_cast %add3A_459 : i32 to index
          %get3A_494 = arith.constant 48 : index
          %get3A_495 = tpu.vector_load %arg9[%get3A_493, %get3A_494] {strides = array<i32>} : memref<128x64xi32, #tpu.memory_space<vmem>>, vector<16xi32>,
          %bitcast3A_496 = vector.bitcast %get3A_495 : vector<16xi32> to vector<32xbf16>
          %mul3A_497 = arith.mulf %bitcast3A_492, %bitcast3A_496 : vector<32xbf16>
          %add3A_498 = arith.addf %add3A_488, %mul3A_497 : vector<32xbf16>
          %unpack3A_499 = tpu.unpack_subelements %add3A_498, 0 {pack_format = #tpu.pack_format<interleaved>} : vector<32xbf16> -> vector<16xf32>
          %unpack3A_500 = tpu.unpack_subelements %add3A_498, 1 {pack_format = #tpu.pack_format<interleaved>} : vector<32xbf16> -> vector<16xf32>
          %add3A_501 = arith.addf %unpack3A_499, %unpack3A_500 : vector<16xf32>
          %add3A_502 = arith.constant 6 : i32
          %add3A_503 = arith.addi %add3A_161, %add3A_502 : i32
          %mul3A_504 = arith.constant 16 : i32
          %mul3A_505 = arith.muli %add3A_503, %mul3A_504 : i32
          %swap3A_506 = arith.index_cast %mul3A_505 : i32 to index
          %swap3A_507 = tpu.vector_load %arg13[%swap3A_506] {strides = array<i32>} : memref<2048xf32, #tpu.memory_space<vmem>>, vector<16xf32>,
          tpu.vector_store %arg13[%swap3A_506], %add3A_501 {strides = array<i32>} : memref<2048xf32, #tpu.memory_space<vmem>>, vector<16xf32>,
          %add3A_508 = arith.constant 7 : i32
          %add3A_509 = arith.addi %add3A_161, %add3A_508 : i32
          %get3A_510 = arith.index_cast %add3A_509 : i32 to index
          %get3A_511 = arith.constant 0 : index
          %get3A_512 = tpu.vector_load %arg8[%get3A_510, %get3A_511] {strides = array<i32>} : memref<128x64xi32, #tpu.memory_space<vmem>>, vector<16xi32>,
          %bitcast3A_513 = vector.bitcast %get3A_512 : vector<16xi32> to vector<32xbf16>
          %get3A_514 = arith.index_cast %add3A_509 : i32 to index
          %get3A_515 = arith.constant 0 : index
          %get3A_516 = tpu.vector_load %arg9[%get3A_514, %get3A_515] {strides = array<i32>} : memref<128x64xi32, #tpu.memory_space<vmem>>, vector<16xi32>,
          %bitcast3A_517 = vector.bitcast %get3A_516 : vector<16xi32> to vector<32xbf16>
          %mul3A_518 = arith.mulf %bitcast3A_513, %bitcast3A_517 : vector<32xbf16>
          %get3A_519 = arith.index_cast %add3A_509 : i32 to index
          %get3A_520 = arith.constant 16 : index
          %get3A_521 = tpu.vector_load %arg8[%get3A_519, %get3A_520] {strides = array<i32>} : memref<128x64xi32, #tpu.memory_space<vmem>>, vector<16xi32>,
          %bitcast3A_522 = vector.bitcast %get3A_521 : vector<16xi32> to vector<32xbf16>
          %get3A_523 = arith.index_cast %add3A_509 : i32 to index
          %get3A_524 = arith.constant 16 : index
          %get3A_525 = tpu.vector_load %arg9[%get3A_523, %get3A_524] {strides = array<i32>} : memref<128x64xi32, #tpu.memory_space<vmem>>, vector<16xi32>,
          %bitcast3A_526 = vector.bitcast %get3A_525 : vector<16xi32> to vector<32xbf16>
          %mul3A_527 = arith.mulf %bitcast3A_522, %bitcast3A_526 : vector<32xbf16>
          %add3A_528 = arith.addf %mul3A_518, %mul3A_527 : vector<32xbf16>
          %get3A_529 = arith.index_cast %add3A_509 : i32 to index
          %get3A_530 = arith.constant 32 : index
          %get3A_531 = tpu.vector_load %arg8[%get3A_529, %get3A_530] {strides = array<i32>} : memref<128x64xi32, #tpu.memory_space<vmem>>, vector<16xi32>,
          %bitcast3A_532 = vector.bitcast %get3A_531 : vector<16xi32> to vector<32xbf16>
          %get3A_533 = arith.index_cast %add3A_509 : i32 to index
          %get3A_534 = arith.constant 32 : index
          %get3A_535 = tpu.vector_load %arg9[%get3A_533, %get3A_534] {strides = array<i32>} : memref<128x64xi32, #tpu.memory_space<vmem>>, vector<16xi32>,
          %bitcast3A_536 = vector.bitcast %get3A_535 : vector<16xi32> to vector<32xbf16>
          %mul3A_537 = arith.mulf %bitcast3A_532, %bitcast3A_536 : vector<32xbf16>
          %add3A_538 = arith.addf %add3A_528, %mul3A_537 : vector<32xbf16>
          %get3A_539 = arith.index_cast %add3A_509 : i32 to index
          %get3A_540 = arith.constant 48 : index
          %get3A_541 = tpu.vector_load %arg8[%get3A_539, %get3A_540] {strides = array<i32>} : memref<128x64xi32, #tpu.memory_space<vmem>>, vector<16xi32>,
          %bitcast3A_542 = vector.bitcast %get3A_541 : vector<16xi32> to vector<32xbf16>
          %get3A_543 = arith.index_cast %add3A_509 : i32 to index
          %get3A_544 = arith.constant 48 : index
          %get3A_545 = tpu.vector_load %arg9[%get3A_543, %get3A_544] {strides = array<i32>} : memref<128x64xi32, #tpu.memory_space<vmem>>, vector<16xi32>,
          %bitcast3A_546 = vector.bitcast %get3A_545 : vector<16xi32> to vector<32xbf16>
          %mul3A_547 = arith.mulf %bitcast3A_542, %bitcast3A_546 : vector<32xbf16>
          %add3A_548 = arith.addf %add3A_538, %mul3A_547 : vector<32xbf16>
          %unpack3A_549 = tpu.unpack_subelements %add3A_548, 0 {pack_format = #tpu.pack_format<interleaved>} : vector<32xbf16> -> vector<16xf32>
          %unpack3A_550 = tpu.unpack_subelements %add3A_548, 1 {pack_format = #tpu.pack_format<interleaved>} : vector<32xbf16> -> vector<16xf32>
          %add3A_551 = arith.addf %unpack3A_549, %unpack3A_550 : vector<16xf32>
          %add3A_552 = arith.constant 7 : i32
          %add3A_553 = arith.addi %add3A_161, %add3A_552 : i32
          %mul3A_554 = arith.constant 16 : i32
          %mul3A_555 = arith.muli %add3A_553, %mul3A_554 : i32
          %swap3A_556 = arith.index_cast %mul3A_555 : i32 to index
          %swap3A_557 = tpu.vector_load %arg13[%swap3A_556] {strides = array<i32>} : memref<2048xf32, #tpu.memory_space<vmem>>, vector<16xf32>,
          tpu.vector_store %arg13[%swap3A_556], %add3A_551 {strides = array<i32>} : memref<2048xf32, #tpu.memory_space<vmem>>, vector<16xf32>,
        }
        %scan3A_140 = arith.constant 16 : i32
        %scan3A_141 = arith.constant 0 : i32
        %scan3A_142 = arith.constant 4 : i32
        %scan3A_143 = arith.addi %scan3A_141, %scan3A_142 : i32
        %scan3A_144 = arith.constant 1 : i32
        scf.for %scan3A_157 = %scan3A_141 to %scan3A_143 step %scan3A_144  : i32 {
          %mul3A_158 = arith.constant 2 : i32
          %mul3A_159 = arith.muli %scan3A_157, %mul3A_158 : i32
          %add3A_160 = arith.constant 0 : i32
          %add3A_161 = arith.addi %add3A_160, %mul3A_159 : i32
          %add3A_162 = arith.constant 0 : i32
          %add3A_163 = arith.addi %add3A_161, %add3A_162 : i32
          %mul3A_164 = arith.constant 256 : i32
          %mul3A_165 = arith.muli %add3A_163, %mul3A_164 : i32
          %add3A_166 = vector.broadcast %mul3A_165 : i32 to vector<16xi32>
          %add3A_167 = arith.addi %mul3A_15, %add3A_166 : vector<16xi32>
          %gather3A = tpu.vector_load_idx %arg13[%add3A_167] : memref<2048xf32, #tpu.memory_space<vmem>>[vector<16xi32>], vector<16xf32>,
          %add3A_168 = arith.constant 1 : i32
          %add3A_169 = arith.addi %mul3A_165, %add3A_168 : i32
          %add3A_170 = vector.broadcast %add3A_169 : i32 to vector<16xi32>
          %add3A_171 = arith.addi %mul3A_15, %add3A_170 : vector<16xi32>
          %gather3A_172 = tpu.vector_load_idx %arg13[%add3A_171] : memref<2048xf32, #tpu.memory_space<vmem>>[vector<16xi32>], vector<16xf32>,
          %add3A_173 = arith.addf %gather3A, %gather3A_172 : vector<16xf32>
          %add3A_174 = arith.constant 2 : i32
          %add3A_175 = arith.addi %mul3A_165, %add3A_174 : i32
          %add3A_176 = vector.broadcast %add3A_175 : i32 to vector<16xi32>
          %add3A_177 = arith.addi %mul3A_15, %add3A_176 : vector<16xi32>
          %gather3A_178 = tpu.vector_load_idx %arg13[%add3A_177] : memref<2048xf32, #tpu.memory_space<vmem>>[vector<16xi32>], vector<16xf32>,
          %add3A_179 = arith.addf %add3A_173, %gather3A_178 : vector<16xf32>
          %add3A_180 = arith.constant 3 : i32
          %add3A_181 = arith.addi %mul3A_165, %add3A_180 : i32
          %add3A_182 = vector.broadcast %add3A_181 : i32 to vector<16xi32>
          %add3A_183 = arith.addi %mul3A_15, %add3A_182 : vector<16xi32>
          %gather3A_184 = tpu.vector_load_idx %arg13[%add3A_183] : memref<2048xf32, #tpu.memory_space<vmem>>[vector<16xi32>], vector<16xf32>,
          %add3A_185 = arith.addf %add3A_179, %gather3A_184 : vector<16xf32>
          %add3A_186 = arith.constant 4 : i32
          %add3A_187 = arith.addi %mul3A_165, %add3A_186 : i32
          %add3A_188 = vector.broadcast %add3A_187 : i32 to vector<16xi32>
          %add3A_189 = arith.addi %mul3A_15, %add3A_188 : vector<16xi32>
          %gather3A_190 = tpu.vector_load_idx %arg13[%add3A_189] : memref<2048xf32, #tpu.memory_space<vmem>>[vector<16xi32>], vector<16xf32>,
          %add3A_191 = arith.addf %add3A_185, %gather3A_190 : vector<16xf32>
          %add3A_192 = arith.constant 5 : i32
          %add3A_193 = arith.addi %mul3A_165, %add3A_192 : i32
          %add3A_194 = vector.broadcast %add3A_193 : i32 to vector<16xi32>
          %add3A_195 = arith.addi %mul3A_15, %add3A_194 : vector<16xi32>
          %gather3A_196 = tpu.vector_load_idx %arg13[%add3A_195] : memref<2048xf32, #tpu.memory_space<vmem>>[vector<16xi32>], vector<16xf32>,
          %add3A_197 = arith.addf %add3A_191, %gather3A_196 : vector<16xf32>
          %add3A_198 = arith.constant 6 : i32
          %add3A_199 = arith.addi %mul3A_165, %add3A_198 : i32
          %add3A_200 = vector.broadcast %add3A_199 : i32 to vector<16xi32>
          %add3A_201 = arith.addi %mul3A_15, %add3A_200 : vector<16xi32>
          %gather3A_202 = tpu.vector_load_idx %arg13[%add3A_201] : memref<2048xf32, #tpu.memory_space<vmem>>[vector<16xi32>], vector<16xf32>,
          %add3A_203 = arith.addf %add3A_197, %gather3A_202 : vector<16xf32>
          %add3A_204 = arith.constant 7 : i32
          %add3A_205 = arith.addi %mul3A_165, %add3A_204 : i32
          %add3A_206 = vector.broadcast %add3A_205 : i32 to vector<16xi32>
          %add3A_207 = arith.addi %mul3A_15, %add3A_206 : vector<16xi32>
          %gather3A_208 = tpu.vector_load_idx %arg13[%add3A_207] : memref<2048xf32, #tpu.memory_space<vmem>>[vector<16xi32>], vector<16xf32>,
          %add3A_209 = arith.addf %add3A_203, %gather3A_208 : vector<16xf32>
          %add3A_210 = arith.constant 8 : i32
          %add3A_211 = arith.addi %mul3A_165, %add3A_210 : i32
          %add3A_212 = vector.broadcast %add3A_211 : i32 to vector<16xi32>
          %add3A_213 = arith.addi %mul3A_15, %add3A_212 : vector<16xi32>
          %gather3A_214 = tpu.vector_load_idx %arg13[%add3A_213] : memref<2048xf32, #tpu.memory_space<vmem>>[vector<16xi32>], vector<16xf32>,
          %add3A_215 = arith.addf %add3A_209, %gather3A_214 : vector<16xf32>
          %add3A_216 = arith.constant 9 : i32
          %add3A_217 = arith.addi %mul3A_165, %add3A_216 : i32
          %add3A_218 = vector.broadcast %add3A_217 : i32 to vector<16xi32>
          %add3A_219 = arith.addi %mul3A_15, %add3A_218 : vector<16xi32>
          %gather3A_220 = tpu.vector_load_idx %arg13[%add3A_219] : memref<2048xf32, #tpu.memory_space<vmem>>[vector<16xi32>], vector<16xf32>,
          %add3A_221 = arith.addf %add3A_215, %gather3A_220 : vector<16xf32>
          %add3A_222 = arith.constant 10 : i32
          %add3A_223 = arith.addi %mul3A_165, %add3A_222 : i32
          %add3A_224 = vector.broadcast %add3A_223 : i32 to vector<16xi32>
          %add3A_225 = arith.addi %mul3A_15, %add3A_224 : vector<16xi32>
          %gather3A_226 = tpu.vector_load_idx %arg13[%add3A_225] : memref<2048xf32, #tpu.memory_space<vmem>>[vector<16xi32>], vector<16xf32>,
          %add3A_227 = arith.addf %add3A_221, %gather3A_226 : vector<16xf32>
          %add3A_228 = arith.constant 11 : i32
          %add3A_229 = arith.addi %mul3A_165, %add3A_228 : i32
          %add3A_230 = vector.broadcast %add3A_229 : i32 to vector<16xi32>
          %add3A_231 = arith.addi %mul3A_15, %add3A_230 : vector<16xi32>
          %gather3A_232 = tpu.vector_load_idx %arg13[%add3A_231] : memref<2048xf32, #tpu.memory_space<vmem>>[vector<16xi32>], vector<16xf32>,
          %add3A_233 = arith.addf %add3A_227, %gather3A_232 : vector<16xf32>
          %add3A_234 = arith.constant 12 : i32
          %add3A_235 = arith.addi %mul3A_165, %add3A_234 : i32
          %add3A_236 = vector.broadcast %add3A_235 : i32 to vector<16xi32>
          %add3A_237 = arith.addi %mul3A_15, %add3A_236 : vector<16xi32>
          %gather3A_238 = tpu.vector_load_idx %arg13[%add3A_237] : memref<2048xf32, #tpu.memory_space<vmem>>[vector<16xi32>], vector<16xf32>,
          %add3A_239 = arith.addf %add3A_233, %gather3A_238 : vector<16xf32>
          %add3A_240 = arith.constant 13 : i32
          %add3A_241 = arith.addi %mul3A_165, %add3A_240 : i32
          %add3A_242 = vector.broadcast %add3A_241 : i32 to vector<16xi32>
          %add3A_243 = arith.addi %mul3A_15, %add3A_242 : vector<16xi32>
          %gather3A_244 = tpu.vector_load_idx %arg13[%add3A_243] : memref<2048xf32, #tpu.memory_space<vmem>>[vector<16xi32>], vector<16xf32>,
          %add3A_245 = arith.addf %add3A_239, %gather3A_244 : vector<16xf32>
          %add3A_246 = arith.constant 14 : i32
          %add3A_247 = arith.addi %mul3A_165, %add3A_246 : i32
          %add3A_248 = vector.broadcast %add3A_247 : i32 to vector<16xi32>
          %add3A_249 = arith.addi %mul3A_15, %add3A_248 : vector<16xi32>
          %gather3A_250 = tpu.vector_load_idx %arg13[%add3A_249] : memref<2048xf32, #tpu.memory_space<vmem>>[vector<16xi32>], vector<16xf32>,
          %add3A_251 = arith.addf %add3A_245, %gather3A_250 : vector<16xf32>
          %add3A_252 = arith.constant 15 : i32
          %add3A_253 = arith.addi %mul3A_165, %add3A_252 : i32
          %add3A_254 = vector.broadcast %add3A_253 : i32 to vector<16xi32>
          %add3A_255 = arith.addi %mul3A_15, %add3A_254 : vector<16xi32>
          %gather3A_256 = tpu.vector_load_idx %arg13[%add3A_255] : memref<2048xf32, #tpu.memory_space<vmem>>[vector<16xi32>], vector<16xf32>,
          %add3A_257 = arith.addf %add3A_251, %gather3A_256 : vector<16xf32>
          %add3A_258 = arith.constant 0 : i32
          %add3A_259 = arith.addi %add3A_161, %add3A_258 : i32
          %mul3A_260 = arith.constant 16 : i32
          %mul3A_261 = arith.muli %add3A_259, %mul3A_260 : i32
          %swap3A = arith.index_cast %mul3A_261 : i32 to index
          %swap3A_262 = tpu.vector_load %arg14[%swap3A] {strides = array<i32>} : memref<128xf32, #tpu.memory_space<vmem>>, vector<16xf32>,
          tpu.vector_store %arg14[%swap3A], %add3A_257 {strides = array<i32>} : memref<128xf32, #tpu.memory_space<vmem>>, vector<16xf32>,
          %add3A_263 = arith.constant 1 : i32
          %add3A_264 = arith.addi %add3A_161, %add3A_263 : i32
          %mul3A_265 = arith.constant 256 : i32
          %mul3A_266 = arith.muli %add3A_264, %mul3A_265 : i32
          %add3A_267 = vector.broadcast %mul3A_266 : i32 to vector<16xi32>
          %add3A_268 = arith.addi %mul3A_15, %add3A_267 : vector<16xi32>
          %gather3A_269 = tpu.vector_load_idx %arg13[%add3A_268] : memref<2048xf32, #tpu.memory_space<vmem>>[vector<16xi32>], vector<16xf32>,
          %add3A_270 = arith.constant 1 : i32
          %add3A_271 = arith.addi %mul3A_266, %add3A_270 : i32
          %add3A_272 = vector.broadcast %add3A_271 : i32 to vector<16xi32>
          %add3A_273 = arith.addi %mul3A_15, %add3A_272 : vector<16xi32>
          %gather3A_274 = tpu.vector_load_idx %arg13[%add3A_273] : memref<2048xf32, #tpu.memory_space<vmem>>[vector<16xi32>], vector<16xf32>,
          %add3A_275 = arith.addf %gather3A_269, %gather3A_274 : vector<16xf32>
          %add3A_276 = arith.constant 2 : i32
          %add3A_277 = arith.addi %mul3A_266, %add3A_276 : i32
          %add3A_278 = vector.broadcast %add3A_277 : i32 to vector<16xi32>
          %add3A_279 = arith.addi %mul3A_15, %add3A_278 : vector<16xi32>
          %gather3A_280 = tpu.vector_load_idx %arg13[%add3A_279] : memref<2048xf32, #tpu.memory_space<vmem>>[vector<16xi32>], vector<16xf32>,
          %add3A_281 = arith.addf %add3A_275, %gather3A_280 : vector<16xf32>
          %add3A_282 = arith.constant 3 : i32
          %add3A_283 = arith.addi %mul3A_266, %add3A_282 : i32
          %add3A_284 = vector.broadcast %add3A_283 : i32 to vector<16xi32>
          %add3A_285 = arith.addi %mul3A_15, %add3A_284 : vector<16xi32>
          %gather3A_286 = tpu.vector_load_idx %arg13[%add3A_285] : memref<2048xf32, #tpu.memory_space<vmem>>[vector<16xi32>], vector<16xf32>,
          %add3A_287 = arith.addf %add3A_281, %gather3A_286 : vector<16xf32>
          %add3A_288 = arith.constant 4 : i32
          %add3A_289 = arith.addi %mul3A_266, %add3A_288 : i32
          %add3A_290 = vector.broadcast %add3A_289 : i32 to vector<16xi32>
          %add3A_291 = arith.addi %mul3A_15, %add3A_290 : vector<16xi32>
          %gather3A_292 = tpu.vector_load_idx %arg13[%add3A_291] : memref<2048xf32, #tpu.memory_space<vmem>>[vector<16xi32>], vector<16xf32>,
          %add3A_293 = arith.addf %add3A_287, %gather3A_292 : vector<16xf32>
          %add3A_294 = arith.constant 5 : i32
          %add3A_295 = arith.addi %mul3A_266, %add3A_294 : i32
          %add3A_296 = vector.broadcast %add3A_295 : i32 to vector<16xi32>
          %add3A_297 = arith.addi %mul3A_15, %add3A_296 : vector<16xi32>
          %gather3A_298 = tpu.vector_load_idx %arg13[%add3A_297] : memref<2048xf32, #tpu.memory_space<vmem>>[vector<16xi32>], vector<16xf32>,
          %add3A_299 = arith.addf %add3A_293, %gather3A_298 : vector<16xf32>
          %add3A_300 = arith.constant 6 : i32
          %add3A_301 = arith.addi %mul3A_266, %add3A_300 : i32
          %add3A_302 = vector.broadcast %add3A_301 : i32 to vector<16xi32>
          %add3A_303 = arith.addi %mul3A_15, %add3A_302 : vector<16xi32>
          %gather3A_304 = tpu.vector_load_idx %arg13[%add3A_303] : memref<2048xf32, #tpu.memory_space<vmem>>[vector<16xi32>], vector<16xf32>,
          %add3A_305 = arith.addf %add3A_299, %gather3A_304 : vector<16xf32>
          %add3A_306 = arith.constant 7 : i32
          %add3A_307 = arith.addi %mul3A_266, %add3A_306 : i32
          %add3A_308 = vector.broadcast %add3A_307 : i32 to vector<16xi32>
          %add3A_309 = arith.addi %mul3A_15, %add3A_308 : vector<16xi32>
          %gather3A_310 = tpu.vector_load_idx %arg13[%add3A_309] : memref<2048xf32, #tpu.memory_space<vmem>>[vector<16xi32>], vector<16xf32>,
          %add3A_311 = arith.addf %add3A_305, %gather3A_310 : vector<16xf32>
          %add3A_312 = arith.constant 8 : i32
          %add3A_313 = arith.addi %mul3A_266, %add3A_312 : i32
          %add3A_314 = vector.broadcast %add3A_313 : i32 to vector<16xi32>
          %add3A_315 = arith.addi %mul3A_15, %add3A_314 : vector<16xi32>
          %gather3A_316 = tpu.vector_load_idx %arg13[%add3A_315] : memref<2048xf32, #tpu.memory_space<vmem>>[vector<16xi32>], vector<16xf32>,
          %add3A_317 = arith.addf %add3A_311, %gather3A_316 : vector<16xf32>
          %add3A_318 = arith.constant 9 : i32
          %add3A_319 = arith.addi %mul3A_266, %add3A_318 : i32
          %add3A_320 = vector.broadcast %add3A_319 : i32 to vector<16xi32>
          %add3A_321 = arith.addi %mul3A_15, %add3A_320 : vector<16xi32>
          %gather3A_322 = tpu.vector_load_idx %arg13[%add3A_321] : memref<2048xf32, #tpu.memory_space<vmem>>[vector<16xi32>], vector<16xf32>,
          %add3A_323 = arith.addf %add3A_317, %gather3A_322 : vector<16xf32>
          %add3A_324 = arith.constant 10 : i32
          %add3A_325 = arith.addi %mul3A_266, %add3A_324 : i32
          %add3A_326 = vector.broadcast %add3A_325 : i32 to vector<16xi32>
          %add3A_327 = arith.addi %mul3A_15, %add3A_326 : vector<16xi32>
          %gather3A_328 = tpu.vector_load_idx %arg13[%add3A_327] : memref<2048xf32, #tpu.memory_space<vmem>>[vector<16xi32>], vector<16xf32>,
          %add3A_329 = arith.addf %add3A_323, %gather3A_328 : vector<16xf32>
          %add3A_330 = arith.constant 11 : i32
          %add3A_331 = arith.addi %mul3A_266, %add3A_330 : i32
          %add3A_332 = vector.broadcast %add3A_331 : i32 to vector<16xi32>
          %add3A_333 = arith.addi %mul3A_15, %add3A_332 : vector<16xi32>
          %gather3A_334 = tpu.vector_load_idx %arg13[%add3A_333] : memref<2048xf32, #tpu.memory_space<vmem>>[vector<16xi32>], vector<16xf32>,
          %add3A_335 = arith.addf %add3A_329, %gather3A_334 : vector<16xf32>
          %add3A_336 = arith.constant 12 : i32
          %add3A_337 = arith.addi %mul3A_266, %add3A_336 : i32
          %add3A_338 = vector.broadcast %add3A_337 : i32 to vector<16xi32>
          %add3A_339 = arith.addi %mul3A_15, %add3A_338 : vector<16xi32>
          %gather3A_340 = tpu.vector_load_idx %arg13[%add3A_339] : memref<2048xf32, #tpu.memory_space<vmem>>[vector<16xi32>], vector<16xf32>,
          %add3A_341 = arith.addf %add3A_335, %gather3A_340 : vector<16xf32>
          %add3A_342 = arith.constant 13 : i32
          %add3A_343 = arith.addi %mul3A_266, %add3A_342 : i32
          %add3A_344 = vector.broadcast %add3A_343 : i32 to vector<16xi32>
          %add3A_345 = arith.addi %mul3A_15, %add3A_344 : vector<16xi32>
          %gather3A_346 = tpu.vector_load_idx %arg13[%add3A_345] : memref<2048xf32, #tpu.memory_space<vmem>>[vector<16xi32>], vector<16xf32>,
          %add3A_347 = arith.addf %add3A_341, %gather3A_346 : vector<16xf32>
          %add3A_348 = arith.constant 14 : i32
          %add3A_349 = arith.addi %mul3A_266, %add3A_348 : i32
          %add3A_350 = vector.broadcast %add3A_349 : i32 to vector<16xi32>
          %add3A_351 = arith.addi %mul3A_15, %add3A_350 : vector<16xi32>
          %gather3A_352 = tpu.vector_load_idx %arg13[%add3A_351] : memref<2048xf32, #tpu.memory_space<vmem>>[vector<16xi32>], vector<16xf32>,
          %add3A_353 = arith.addf %add3A_347, %gather3A_352 : vector<16xf32>
          %add3A_354 = arith.constant 15 : i32
          %add3A_355 = arith.addi %mul3A_266, %add3A_354 : i32
          %add3A_356 = vector.broadcast %add3A_355 : i32 to vector<16xi32>
          %add3A_357 = arith.addi %mul3A_15, %add3A_356 : vector<16xi32>
          %gather3A_358 = tpu.vector_load_idx %arg13[%add3A_357] : memref<2048xf32, #tpu.memory_space<vmem>>[vector<16xi32>], vector<16xf32>,
          %add3A_359 = arith.addf %add3A_353, %gather3A_358 : vector<16xf32>
          %add3A_360 = arith.constant 1 : i32
          %add3A_361 = arith.addi %add3A_161, %add3A_360 : i32
          %mul3A_362 = arith.constant 16 : i32
          %mul3A_363 = arith.muli %add3A_361, %mul3A_362 : i32
          %swap3A_364 = arith.index_cast %mul3A_363 : i32 to index
          %swap3A_365 = tpu.vector_load %arg14[%swap3A_364] {strides = array<i32>} : memref<128xf32, #tpu.memory_space<vmem>>, vector<16xf32>,
          tpu.vector_store %arg14[%swap3A_364], %add3A_359 {strides = array<i32>} : memref<128xf32, #tpu.memory_space<vmem>>, vector<16xf32>,
        }
        %scan3A_145 = arith.constant 4 : i32
        %mul3A_146 = arith.constant 128 : i32
        %mul3A_147 = arith.muli %add3A_110, %mul3A_146 : i32
        %add3A_148 = arith.addi %mul3A_10, %mul3A_147 : i32
        %dma_start3A_149 = tpu.memref_slice %arg5[%add3A_148] : memref<320000xf32, #tpu.memory_space<hbm>> -> memref<128xf32, #tpu.memory_space<hbm>>
        %dma_start3A_150 = tpu.memref_slice %arg5[%add3A_148] : memref<320000xf32, #tpu.memory_space<hbm>> -> memref<128xf32, #tpu.memory_space<hbm>>
        tpu.enqueue_dma source(%arg14 : memref<128xf32, #tpu.memory_space<vmem>>) target(%dma_start3A_150 : memref<128xf32, #tpu.memory_space<hbm>>) target_semaphore(%arg18 : memref<!tpu.dma_semaphore, #tpu.memory_space<semaphore_mem>>)
        %add3A_151 = arith.constant 2 : i32
        %add3A_152 = arith.addi %add3A_110, %add3A_151 : i32
        %lt3A_153 = arith.cmpi slt, %add3A_152, %add3A_4 : i32
        %convert_element_type3A_154 = arith.extui %lt3A_153 : i1 to i32
        %cond3A_155 = arith.constant 0 : i32
        %cond3A_156 = arith.cmpi ne, %convert_element_type3A_154, %cond3A_155 : i32
        scf.if %cond3A_156 {
          %add3A_157 = arith.constant 2 : i32
          %add3A_158 = arith.addi %add3A_110, %add3A_157 : i32
          %mul3A_159 = arith.constant 128 : i32
          %mul3A_160 = arith.muli %add3A_158, %mul3A_159 : i32
          %add3A_161 = arith.addi %sub3A, %mul3A_160 : i32
          %dma_start3A_162 = tpu.memref_slice %arg6[%add3A_161] : memref<10112xi32, #tpu.memory_space<vmem>> -> memref<128xi32, #tpu.memory_space<vmem>>
          %dma_start3A_163 = arith.constant 0 : i32
          %dma_start3A_164 = arith.constant 0 : i32
          %dma_start3A_165 = tpu.memref_slice %arg12[%dma_start3A_163, %dma_start3A_164] : memref<10000x64xi32, #tpu.memory_space<vmem_shared>> -> memref<10000x64xi32, #tpu.memory_space<vmem_shared>>
          tpu.enqueue_indirect_dma source(%dma_start3A_165 : memref<10000x64xi32, #tpu.memory_space<vmem_shared>>) target(%arg8 : memref<128x64xi32, #tpu.memory_space<vmem>>) offsets(%dma_start3A_162 : memref<128xi32, #tpu.memory_space<vmem>>) semaphore(%arg16 : memref<!tpu.dma_semaphore, #tpu.memory_space<semaphore_mem>>)
          %dma_start3A_166 = tpu.memref_slice %arg7[%add3A_161] : memref<10112xi32, #tpu.memory_space<vmem>> -> memref<128xi32, #tpu.memory_space<vmem>>
          %dma_start3A_167 = arith.constant 0 : i32
          %dma_start3A_168 = arith.constant 0 : i32
          %dma_start3A_169 = tpu.memref_slice %arg12[%dma_start3A_167, %dma_start3A_168] : memref<10000x64xi32, #tpu.memory_space<vmem_shared>> -> memref<10000x64xi32, #tpu.memory_space<vmem_shared>>
          tpu.enqueue_indirect_dma source(%dma_start3A_169 : memref<10000x64xi32, #tpu.memory_space<vmem_shared>>) target(%arg9 : memref<128x64xi32, #tpu.memory_space<vmem>>) offsets(%dma_start3A_166 : memref<128xi32, #tpu.memory_space<vmem>>) semaphore(%arg16 : memref<!tpu.dma_semaphore, #tpu.memory_space<semaphore_mem>>)
        } else {
        }
      } else {
      }
      %add3A_115 = arith.constant 1 : i32
      %add3A_116 = arith.addi %add3A_108, %add3A_115 : i32
      %lt3A_117 = arith.cmpi slt, %add3A_116, %add3A_4 : i32
      %convert_element_type3A_118 = arith.extui %lt3A_117 : i1 to i32
      %cond3A_119 = arith.constant 0 : i32
      %cond3A_120 = arith.cmpi ne, %convert_element_type3A_118, %cond3A_119 : i32
      scf.if %cond3A_120 {
        %mul3A_121 = arith.constant 128 : i32
        %mul3A_122 = arith.muli %add3A_116, %mul3A_121 : i32
        %add3A_123 = arith.addi %sub3A, %mul3A_122 : i32
        %dma_wait3A_124 = tpu.memref_slice %arg6[%add3A_123] : memref<10112xi32, #tpu.memory_space<vmem>> -> memref<128xi32, #tpu.memory_space<vmem>>
        %dma_wait3A_125 = arith.constant 0 : i32
        %dma_wait3A_126 = arith.constant 0 : i32
        %dma_wait3A_127 = tpu.memref_slice %arg12[%dma_wait3A_125, %dma_wait3A_126] : memref<10000x64xi32, #tpu.memory_space<vmem_shared>> -> memref<10000x64xi32, #tpu.memory_space<vmem_shared>>
        tpu.wait_indirect_dma semaphore(%arg17 : memref<!tpu.dma_semaphore, #tpu.memory_space<semaphore_mem>>) src(%dma_wait3A_127 : memref<10000x64xi32, #tpu.memory_space<vmem_shared>>) dst(%arg10 : memref<128x64xi32, #tpu.memory_space<vmem>>)
        %dma_wait3A_128 = tpu.memref_slice %arg7[%add3A_123] : memref<10112xi32, #tpu.memory_space<vmem>> -> memref<128xi32, #tpu.memory_space<vmem>>
        %dma_wait3A_129 = arith.constant 0 : i32
        %dma_wait3A_130 = arith.constant 0 : i32
        %dma_wait3A_131 = tpu.memref_slice %arg12[%dma_wait3A_129, %dma_wait3A_130] : memref<10000x64xi32, #tpu.memory_space<vmem_shared>> -> memref<10000x64xi32, #tpu.memory_space<vmem_shared>>
        tpu.wait_indirect_dma semaphore(%arg17 : memref<!tpu.dma_semaphore, #tpu.memory_space<semaphore_mem>>) src(%dma_wait3A_131 : memref<10000x64xi32, #tpu.memory_space<vmem_shared>>) dst(%arg11 : memref<128x64xi32, #tpu.memory_space<vmem>>)
        %ge3A = arith.constant 2 : i32
        %ge3A_132 = arith.cmpi sge, %add3A_116, %ge3A : i32
        %convert_element_type3A_133 = arith.extui %ge3A_132 : i1 to i32
        %cond3A_134 = arith.constant 0 : i32
        %cond3A_135 = arith.cmpi ne, %convert_element_type3A_133, %cond3A_134 : i32
        scf.if %cond3A_135 {
          %sub3A_157 = arith.constant 2 : i32
          %sub3A_158 = arith.subi %add3A_116, %sub3A_157 : i32
          %mul3A_159 = arith.constant 128 : i32
          %mul3A_160 = arith.muli %sub3A_158, %mul3A_159 : i32
          %add3A_161 = arith.addi %mul3A_10, %mul3A_160 : i32
          %dma_wait3A_162 = tpu.memref_slice %arg5[%add3A_161] : memref<320000xf32, #tpu.memory_space<hbm>> -> memref<128xf32, #tpu.memory_space<hbm>>
          %dma_wait3A_163 = tpu.memref_slice %arg5[%add3A_161] : memref<320000xf32, #tpu.memory_space<hbm>> -> memref<128xf32, #tpu.memory_space<hbm>>
          tpu.wait_dma2 semaphore(%arg19 : memref<!tpu.dma_semaphore, #tpu.memory_space<semaphore_mem>>) src(%arg15 : memref<128xf32, #tpu.memory_space<vmem>>) dst(%dma_wait3A_163 : memref<128xf32, #tpu.memory_space<hbm>>)
        } else {
        }
        %scan3A_136 = arith.constant 0 : i32
        %scan3A_137 = arith.constant 16 : i32
        %scan3A_138 = arith.addi %scan3A_136, %scan3A_137 : i32
        %scan3A_139 = arith.constant 1 : i32
        scf.for %scan3A_157 = %scan3A_136 to %scan3A_138 step %scan3A_139  : i32 {
          %mul3A_158 = arith.constant 8 : i32
          %mul3A_159 = arith.muli %scan3A_157, %mul3A_158 : i32
          %add3A_160 = arith.constant 0 : i32
          %add3A_161 = arith.addi %add3A_160, %mul3A_159 : i32
          %add3A_162 = arith.constant 0 : i32
          %add3A_163 = arith.addi %add3A_161, %add3A_162 : i32
          %get3A = arith.index_cast %add3A_163 : i32 to index
          %get3A_164 = arith.constant 0 : index
          %get3A_165 = tpu.vector_load %arg10[%get3A, %get3A_164] {strides = array<i32>} : memref<128x64xi32, #tpu.memory_space<vmem>>, vector<16xi32>,
          %bitcast3A = vector.bitcast %get3A_165 : vector<16xi32> to vector<32xbf16>
          %get3A_166 = arith.index_cast %add3A_163 : i32 to index
          %get3A_167 = arith.constant 0 : index
          %get3A_168 = tpu.vector_load %arg11[%get3A_166, %get3A_167] {strides = array<i32>} : memref<128x64xi32, #tpu.memory_space<vmem>>, vector<16xi32>,
          %bitcast3A_169 = vector.bitcast %get3A_168 : vector<16xi32> to vector<32xbf16>
          %mul3A_170 = arith.mulf %bitcast3A, %bitcast3A_169 : vector<32xbf16>
          %get3A_171 = arith.index_cast %add3A_163 : i32 to index
          %get3A_172 = arith.constant 16 : index
          %get3A_173 = tpu.vector_load %arg10[%get3A_171, %get3A_172] {strides = array<i32>} : memref<128x64xi32, #tpu.memory_space<vmem>>, vector<16xi32>,
          %bitcast3A_174 = vector.bitcast %get3A_173 : vector<16xi32> to vector<32xbf16>
          %get3A_175 = arith.index_cast %add3A_163 : i32 to index
          %get3A_176 = arith.constant 16 : index
          %get3A_177 = tpu.vector_load %arg11[%get3A_175, %get3A_176] {strides = array<i32>} : memref<128x64xi32, #tpu.memory_space<vmem>>, vector<16xi32>,
          %bitcast3A_178 = vector.bitcast %get3A_177 : vector<16xi32> to vector<32xbf16>
          %mul3A_179 = arith.mulf %bitcast3A_174, %bitcast3A_178 : vector<32xbf16>
          %add3A_180 = arith.addf %mul3A_170, %mul3A_179 : vector<32xbf16>
          %get3A_181 = arith.index_cast %add3A_163 : i32 to index
          %get3A_182 = arith.constant 32 : index
          %get3A_183 = tpu.vector_load %arg10[%get3A_181, %get3A_182] {strides = array<i32>} : memref<128x64xi32, #tpu.memory_space<vmem>>, vector<16xi32>,
          %bitcast3A_184 = vector.bitcast %get3A_183 : vector<16xi32> to vector<32xbf16>
          %get3A_185 = arith.index_cast %add3A_163 : i32 to index
          %get3A_186 = arith.constant 32 : index
          %get3A_187 = tpu.vector_load %arg11[%get3A_185, %get3A_186] {strides = array<i32>} : memref<128x64xi32, #tpu.memory_space<vmem>>, vector<16xi32>,
          %bitcast3A_188 = vector.bitcast %get3A_187 : vector<16xi32> to vector<32xbf16>
          %mul3A_189 = arith.mulf %bitcast3A_184, %bitcast3A_188 : vector<32xbf16>
          %add3A_190 = arith.addf %add3A_180, %mul3A_189 : vector<32xbf16>
          %get3A_191 = arith.index_cast %add3A_163 : i32 to index
          %get3A_192 = arith.constant 48 : index
          %get3A_193 = tpu.vector_load %arg10[%get3A_191, %get3A_192] {strides = array<i32>} : memref<128x64xi32, #tpu.memory_space<vmem>>, vector<16xi32>,
          %bitcast3A_194 = vector.bitcast %get3A_193 : vector<16xi32> to vector<32xbf16>
          %get3A_195 = arith.index_cast %add3A_163 : i32 to index
          %get3A_196 = arith.constant 48 : index
          %get3A_197 = tpu.vector_load %arg11[%get3A_195, %get3A_196] {strides = array<i32>} : memref<128x64xi32, #tpu.memory_space<vmem>>, vector<16xi32>,
          %bitcast3A_198 = vector.bitcast %get3A_197 : vector<16xi32> to vector<32xbf16>
          %mul3A_199 = arith.mulf %bitcast3A_194, %bitcast3A_198 : vector<32xbf16>
          %add3A_200 = arith.addf %add3A_190, %mul3A_199 : vector<32xbf16>
          %unpack3A = tpu.unpack_subelements %add3A_200, 0 {pack_format = #tpu.pack_format<interleaved>} : vector<32xbf16> -> vector<16xf32>
          %unpack3A_201 = tpu.unpack_subelements %add3A_200, 1 {pack_format = #tpu.pack_format<interleaved>} : vector<32xbf16> -> vector<16xf32>
          %add3A_202 = arith.addf %unpack3A, %unpack3A_201 : vector<16xf32>
          %add3A_203 = arith.constant 0 : i32
          %add3A_204 = arith.addi %add3A_161, %add3A_203 : i32
          %mul3A_205 = arith.constant 16 : i32
          %mul3A_206 = arith.muli %add3A_204, %mul3A_205 : i32
          %swap3A = arith.index_cast %mul3A_206 : i32 to index
          %swap3A_207 = tpu.vector_load %arg13[%swap3A] {strides = array<i32>} : memref<2048xf32, #tpu.memory_space<vmem>>, vector<16xf32>,
          tpu.vector_store %arg13[%swap3A], %add3A_202 {strides = array<i32>} : memref<2048xf32, #tpu.memory_space<vmem>>, vector<16xf32>,
          %add3A_208 = arith.constant 1 : i32
          %add3A_209 = arith.addi %add3A_161, %add3A_208 : i32
          %get3A_210 = arith.index_cast %add3A_209 : i32 to index
          %get3A_211 = arith.constant 0 : index
          %get3A_212 = tpu.vector_load %arg10[%get3A_210, %get3A_211] {strides = array<i32>} : memref<128x64xi32, #tpu.memory_space<vmem>>, vector<16xi32>,
          %bitcast3A_213 = vector.bitcast %get3A_212 : vector<16xi32> to vector<32xbf16>
          %get3A_214 = arith.index_cast %add3A_209 : i32 to index
          %get3A_215 = arith.constant 0 : index
          %get3A_216 = tpu.vector_load %arg11[%get3A_214, %get3A_215] {strides = array<i32>} : memref<128x64xi32, #tpu.memory_space<vmem>>, vector<16xi32>,
          %bitcast3A_217 = vector.bitcast %get3A_216 : vector<16xi32> to vector<32xbf16>
          %mul3A_218 = arith.mulf %bitcast3A_213, %bitcast3A_217 : vector<32xbf16>
          %get3A_219 = arith.index_cast %add3A_209 : i32 to index
          %get3A_220 = arith.constant 16 : index
          %get3A_221 = tpu.vector_load %arg10[%get3A_219, %get3A_220] {strides = array<i32>} : memref<128x64xi32, #tpu.memory_space<vmem>>, vector<16xi32>,
          %bitcast3A_222 = vector.bitcast %get3A_221 : vector<16xi32> to vector<32xbf16>
          %get3A_223 = arith.index_cast %add3A_209 : i32 to index
          %get3A_224 = arith.constant 16 : index
          %get3A_225 = tpu.vector_load %arg11[%get3A_223, %get3A_224] {strides = array<i32>} : memref<128x64xi32, #tpu.memory_space<vmem>>, vector<16xi32>,
          %bitcast3A_226 = vector.bitcast %get3A_225 : vector<16xi32> to vector<32xbf16>
          %mul3A_227 = arith.mulf %bitcast3A_222, %bitcast3A_226 : vector<32xbf16>
          %add3A_228 = arith.addf %mul3A_218, %mul3A_227 : vector<32xbf16>
          %get3A_229 = arith.index_cast %add3A_209 : i32 to index
          %get3A_230 = arith.constant 32 : index
          %get3A_231 = tpu.vector_load %arg10[%get3A_229, %get3A_230] {strides = array<i32>} : memref<128x64xi32, #tpu.memory_space<vmem>>, vector<16xi32>,
          %bitcast3A_232 = vector.bitcast %get3A_231 : vector<16xi32> to vector<32xbf16>
          %get3A_233 = arith.index_cast %add3A_209 : i32 to index
          %get3A_234 = arith.constant 32 : index
          %get3A_235 = tpu.vector_load %arg11[%get3A_233, %get3A_234] {strides = array<i32>} : memref<128x64xi32, #tpu.memory_space<vmem>>, vector<16xi32>,
          %bitcast3A_236 = vector.bitcast %get3A_235 : vector<16xi32> to vector<32xbf16>
          %mul3A_237 = arith.mulf %bitcast3A_232, %bitcast3A_236 : vector<32xbf16>
          %add3A_238 = arith.addf %add3A_228, %mul3A_237 : vector<32xbf16>
          %get3A_239 = arith.index_cast %add3A_209 : i32 to index
          %get3A_240 = arith.constant 48 : index
          %get3A_241 = tpu.vector_load %arg10[%get3A_239, %get3A_240] {strides = array<i32>} : memref<128x64xi32, #tpu.memory_space<vmem>>, vector<16xi32>,
          %bitcast3A_242 = vector.bitcast %get3A_241 : vector<16xi32> to vector<32xbf16>
          %get3A_243 = arith.index_cast %add3A_209 : i32 to index
          %get3A_244 = arith.constant 48 : index
          %get3A_245 = tpu.vector_load %arg11[%get3A_243, %get3A_244] {strides = array<i32>} : memref<128x64xi32, #tpu.memory_space<vmem>>, vector<16xi32>,
          %bitcast3A_246 = vector.bitcast %get3A_245 : vector<16xi32> to vector<32xbf16>
          %mul3A_247 = arith.mulf %bitcast3A_242, %bitcast3A_246 : vector<32xbf16>
          %add3A_248 = arith.addf %add3A_238, %mul3A_247 : vector<32xbf16>
          %unpack3A_249 = tpu.unpack_subelements %add3A_248, 0 {pack_format = #tpu.pack_format<interleaved>} : vector<32xbf16> -> vector<16xf32>
          %unpack3A_250 = tpu.unpack_subelements %add3A_248, 1 {pack_format = #tpu.pack_format<interleaved>} : vector<32xbf16> -> vector<16xf32>
          %add3A_251 = arith.addf %unpack3A_249, %unpack3A_250 : vector<16xf32>
          %add3A_252 = arith.constant 1 : i32
          %add3A_253 = arith.addi %add3A_161, %add3A_252 : i32
          %mul3A_254 = arith.constant 16 : i32
          %mul3A_255 = arith.muli %add3A_253, %mul3A_254 : i32
          %swap3A_256 = arith.index_cast %mul3A_255 : i32 to index
          %swap3A_257 = tpu.vector_load %arg13[%swap3A_256] {strides = array<i32>} : memref<2048xf32, #tpu.memory_space<vmem>>, vector<16xf32>,
          tpu.vector_store %arg13[%swap3A_256], %add3A_251 {strides = array<i32>} : memref<2048xf32, #tpu.memory_space<vmem>>, vector<16xf32>,
          %add3A_258 = arith.constant 2 : i32
          %add3A_259 = arith.addi %add3A_161, %add3A_258 : i32
          %get3A_260 = arith.index_cast %add3A_259 : i32 to index
          %get3A_261 = arith.constant 0 : index
          %get3A_262 = tpu.vector_load %arg10[%get3A_260, %get3A_261] {strides = array<i32>} : memref<128x64xi32, #tpu.memory_space<vmem>>, vector<16xi32>,
          %bitcast3A_263 = vector.bitcast %get3A_262 : vector<16xi32> to vector<32xbf16>
          %get3A_264 = arith.index_cast %add3A_259 : i32 to index
          %get3A_265 = arith.constant 0 : index
          %get3A_266 = tpu.vector_load %arg11[%get3A_264, %get3A_265] {strides = array<i32>} : memref<128x64xi32, #tpu.memory_space<vmem>>, vector<16xi32>,
          %bitcast3A_267 = vector.bitcast %get3A_266 : vector<16xi32> to vector<32xbf16>
          %mul3A_268 = arith.mulf %bitcast3A_263, %bitcast3A_267 : vector<32xbf16>
          %get3A_269 = arith.index_cast %add3A_259 : i32 to index
          %get3A_270 = arith.constant 16 : index
          %get3A_271 = tpu.vector_load %arg10[%get3A_269, %get3A_270] {strides = array<i32>} : memref<128x64xi32, #tpu.memory_space<vmem>>, vector<16xi32>,
          %bitcast3A_272 = vector.bitcast %get3A_271 : vector<16xi32> to vector<32xbf16>
          %get3A_273 = arith.index_cast %add3A_259 : i32 to index
          %get3A_274 = arith.constant 16 : index
          %get3A_275 = tpu.vector_load %arg11[%get3A_273, %get3A_274] {strides = array<i32>} : memref<128x64xi32, #tpu.memory_space<vmem>>, vector<16xi32>,
          %bitcast3A_276 = vector.bitcast %get3A_275 : vector<16xi32> to vector<32xbf16>
          %mul3A_277 = arith.mulf %bitcast3A_272, %bitcast3A_276 : vector<32xbf16>
          %add3A_278 = arith.addf %mul3A_268, %mul3A_277 : vector<32xbf16>
          %get3A_279 = arith.index_cast %add3A_259 : i32 to index
          %get3A_280 = arith.constant 32 : index
          %get3A_281 = tpu.vector_load %arg10[%get3A_279, %get3A_280] {strides = array<i32>} : memref<128x64xi32, #tpu.memory_space<vmem>>, vector<16xi32>,
          %bitcast3A_282 = vector.bitcast %get3A_281 : vector<16xi32> to vector<32xbf16>
          %get3A_283 = arith.index_cast %add3A_259 : i32 to index
          %get3A_284 = arith.constant 32 : index
          %get3A_285 = tpu.vector_load %arg11[%get3A_283, %get3A_284] {strides = array<i32>} : memref<128x64xi32, #tpu.memory_space<vmem>>, vector<16xi32>,
          %bitcast3A_286 = vector.bitcast %get3A_285 : vector<16xi32> to vector<32xbf16>
          %mul3A_287 = arith.mulf %bitcast3A_282, %bitcast3A_286 : vector<32xbf16>
          %add3A_288 = arith.addf %add3A_278, %mul3A_287 : vector<32xbf16>
          %get3A_289 = arith.index_cast %add3A_259 : i32 to index
          %get3A_290 = arith.constant 48 : index
          %get3A_291 = tpu.vector_load %arg10[%get3A_289, %get3A_290] {strides = array<i32>} : memref<128x64xi32, #tpu.memory_space<vmem>>, vector<16xi32>,
          %bitcast3A_292 = vector.bitcast %get3A_291 : vector<16xi32> to vector<32xbf16>
          %get3A_293 = arith.index_cast %add3A_259 : i32 to index
          %get3A_294 = arith.constant 48 : index
          %get3A_295 = tpu.vector_load %arg11[%get3A_293, %get3A_294] {strides = array<i32>} : memref<128x64xi32, #tpu.memory_space<vmem>>, vector<16xi32>,
          %bitcast3A_296 = vector.bitcast %get3A_295 : vector<16xi32> to vector<32xbf16>
          %mul3A_297 = arith.mulf %bitcast3A_292, %bitcast3A_296 : vector<32xbf16>
          %add3A_298 = arith.addf %add3A_288, %mul3A_297 : vector<32xbf16>
          %unpack3A_299 = tpu.unpack_subelements %add3A_298, 0 {pack_format = #tpu.pack_format<interleaved>} : vector<32xbf16> -> vector<16xf32>
          %unpack3A_300 = tpu.unpack_subelements %add3A_298, 1 {pack_format = #tpu.pack_format<interleaved>} : vector<32xbf16> -> vector<16xf32>
          %add3A_301 = arith.addf %unpack3A_299, %unpack3A_300 : vector<16xf32>
          %add3A_302 = arith.constant 2 : i32
          %add3A_303 = arith.addi %add3A_161, %add3A_302 : i32
          %mul3A_304 = arith.constant 16 : i32
          %mul3A_305 = arith.muli %add3A_303, %mul3A_304 : i32
          %swap3A_306 = arith.index_cast %mul3A_305 : i32 to index
          %swap3A_307 = tpu.vector_load %arg13[%swap3A_306] {strides = array<i32>} : memref<2048xf32, #tpu.memory_space<vmem>>, vector<16xf32>,
          tpu.vector_store %arg13[%swap3A_306], %add3A_301 {strides = array<i32>} : memref<2048xf32, #tpu.memory_space<vmem>>, vector<16xf32>,
          %add3A_308 = arith.constant 3 : i32
          %add3A_309 = arith.addi %add3A_161, %add3A_308 : i32
          %get3A_310 = arith.index_cast %add3A_309 : i32 to index
          %get3A_311 = arith.constant 0 : index
          %get3A_312 = tpu.vector_load %arg10[%get3A_310, %get3A_311] {strides = array<i32>} : memref<128x64xi32, #tpu.memory_space<vmem>>, vector<16xi32>,
          %bitcast3A_313 = vector.bitcast %get3A_312 : vector<16xi32> to vector<32xbf16>
          %get3A_314 = arith.index_cast %add3A_309 : i32 to index
          %get3A_315 = arith.constant 0 : index
          %get3A_316 = tpu.vector_load %arg11[%get3A_314, %get3A_315] {strides = array<i32>} : memref<128x64xi32, #tpu.memory_space<vmem>>, vector<16xi32>,
          %bitcast3A_317 = vector.bitcast %get3A_316 : vector<16xi32> to vector<32xbf16>
          %mul3A_318 = arith.mulf %bitcast3A_313, %bitcast3A_317 : vector<32xbf16>
          %get3A_319 = arith.index_cast %add3A_309 : i32 to index
          %get3A_320 = arith.constant 16 : index
          %get3A_321 = tpu.vector_load %arg10[%get3A_319, %get3A_320] {strides = array<i32>} : memref<128x64xi32, #tpu.memory_space<vmem>>, vector<16xi32>,
          %bitcast3A_322 = vector.bitcast %get3A_321 : vector<16xi32> to vector<32xbf16>
          %get3A_323 = arith.index_cast %add3A_309 : i32 to index
          %get3A_324 = arith.constant 16 : index
          %get3A_325 = tpu.vector_load %arg11[%get3A_323, %get3A_324] {strides = array<i32>} : memref<128x64xi32, #tpu.memory_space<vmem>>, vector<16xi32>,
          %bitcast3A_326 = vector.bitcast %get3A_325 : vector<16xi32> to vector<32xbf16>
          %mul3A_327 = arith.mulf %bitcast3A_322, %bitcast3A_326 : vector<32xbf16>
          %add3A_328 = arith.addf %mul3A_318, %mul3A_327 : vector<32xbf16>
          %get3A_329 = arith.index_cast %add3A_309 : i32 to index
          %get3A_330 = arith.constant 32 : index
          %get3A_331 = tpu.vector_load %arg10[%get3A_329, %get3A_330] {strides = array<i32>} : memref<128x64xi32, #tpu.memory_space<vmem>>, vector<16xi32>,
          %bitcast3A_332 = vector.bitcast %get3A_331 : vector<16xi32> to vector<32xbf16>
          %get3A_333 = arith.index_cast %add3A_309 : i32 to index
          %get3A_334 = arith.constant 32 : index
          %get3A_335 = tpu.vector_load %arg11[%get3A_333, %get3A_334] {strides = array<i32>} : memref<128x64xi32, #tpu.memory_space<vmem>>, vector<16xi32>,
          %bitcast3A_336 = vector.bitcast %get3A_335 : vector<16xi32> to vector<32xbf16>
          %mul3A_337 = arith.mulf %bitcast3A_332, %bitcast3A_336 : vector<32xbf16>
          %add3A_338 = arith.addf %add3A_328, %mul3A_337 : vector<32xbf16>
          %get3A_339 = arith.index_cast %add3A_309 : i32 to index
          %get3A_340 = arith.constant 48 : index
          %get3A_341 = tpu.vector_load %arg10[%get3A_339, %get3A_340] {strides = array<i32>} : memref<128x64xi32, #tpu.memory_space<vmem>>, vector<16xi32>,
          %bitcast3A_342 = vector.bitcast %get3A_341 : vector<16xi32> to vector<32xbf16>
          %get3A_343 = arith.index_cast %add3A_309 : i32 to index
          %get3A_344 = arith.constant 48 : index
          %get3A_345 = tpu.vector_load %arg11[%get3A_343, %get3A_344] {strides = array<i32>} : memref<128x64xi32, #tpu.memory_space<vmem>>, vector<16xi32>,
          %bitcast3A_346 = vector.bitcast %get3A_345 : vector<16xi32> to vector<32xbf16>
          %mul3A_347 = arith.mulf %bitcast3A_342, %bitcast3A_346 : vector<32xbf16>
          %add3A_348 = arith.addf %add3A_338, %mul3A_347 : vector<32xbf16>
          %unpack3A_349 = tpu.unpack_subelements %add3A_348, 0 {pack_format = #tpu.pack_format<interleaved>} : vector<32xbf16> -> vector<16xf32>
          %unpack3A_350 = tpu.unpack_subelements %add3A_348, 1 {pack_format = #tpu.pack_format<interleaved>} : vector<32xbf16> -> vector<16xf32>
          %add3A_351 = arith.addf %unpack3A_349, %unpack3A_350 : vector<16xf32>
          %add3A_352 = arith.constant 3 : i32
          %add3A_353 = arith.addi %add3A_161, %add3A_352 : i32
          %mul3A_354 = arith.constant 16 : i32
          %mul3A_355 = arith.muli %add3A_353, %mul3A_354 : i32
          %swap3A_356 = arith.index_cast %mul3A_355 : i32 to index
          %swap3A_357 = tpu.vector_load %arg13[%swap3A_356] {strides = array<i32>} : memref<2048xf32, #tpu.memory_space<vmem>>, vector<16xf32>,
          tpu.vector_store %arg13[%swap3A_356], %add3A_351 {strides = array<i32>} : memref<2048xf32, #tpu.memory_space<vmem>>, vector<16xf32>,
          %add3A_358 = arith.constant 4 : i32
          %add3A_359 = arith.addi %add3A_161, %add3A_358 : i32
          %get3A_360 = arith.index_cast %add3A_359 : i32 to index
          %get3A_361 = arith.constant 0 : index
          %get3A_362 = tpu.vector_load %arg10[%get3A_360, %get3A_361] {strides = array<i32>} : memref<128x64xi32, #tpu.memory_space<vmem>>, vector<16xi32>,
          %bitcast3A_363 = vector.bitcast %get3A_362 : vector<16xi32> to vector<32xbf16>
          %get3A_364 = arith.index_cast %add3A_359 : i32 to index
          %get3A_365 = arith.constant 0 : index
          %get3A_366 = tpu.vector_load %arg11[%get3A_364, %get3A_365] {strides = array<i32>} : memref<128x64xi32, #tpu.memory_space<vmem>>, vector<16xi32>,
          %bitcast3A_367 = vector.bitcast %get3A_366 : vector<16xi32> to vector<32xbf16>
          %mul3A_368 = arith.mulf %bitcast3A_363, %bitcast3A_367 : vector<32xbf16>
          %get3A_369 = arith.index_cast %add3A_359 : i32 to index
          %get3A_370 = arith.constant 16 : index
          %get3A_371 = tpu.vector_load %arg10[%get3A_369, %get3A_370] {strides = array<i32>} : memref<128x64xi32, #tpu.memory_space<vmem>>, vector<16xi32>,
          %bitcast3A_372 = vector.bitcast %get3A_371 : vector<16xi32> to vector<32xbf16>
          %get3A_373 = arith.index_cast %add3A_359 : i32 to index
          %get3A_374 = arith.constant 16 : index
          %get3A_375 = tpu.vector_load %arg11[%get3A_373, %get3A_374] {strides = array<i32>} : memref<128x64xi32, #tpu.memory_space<vmem>>, vector<16xi32>,
          %bitcast3A_376 = vector.bitcast %get3A_375 : vector<16xi32> to vector<32xbf16>
          %mul3A_377 = arith.mulf %bitcast3A_372, %bitcast3A_376 : vector<32xbf16>
          %add3A_378 = arith.addf %mul3A_368, %mul3A_377 : vector<32xbf16>
          %get3A_379 = arith.index_cast %add3A_359 : i32 to index
          %get3A_380 = arith.constant 32 : index
          %get3A_381 = tpu.vector_load %arg10[%get3A_379, %get3A_380] {strides = array<i32>} : memref<128x64xi32, #tpu.memory_space<vmem>>, vector<16xi32>,
          %bitcast3A_382 = vector.bitcast %get3A_381 : vector<16xi32> to vector<32xbf16>
          %get3A_383 = arith.index_cast %add3A_359 : i32 to index
          %get3A_384 = arith.constant 32 : index
          %get3A_385 = tpu.vector_load %arg11[%get3A_383, %get3A_384] {strides = array<i32>} : memref<128x64xi32, #tpu.memory_space<vmem>>, vector<16xi32>,
          %bitcast3A_386 = vector.bitcast %get3A_385 : vector<16xi32> to vector<32xbf16>
          %mul3A_387 = arith.mulf %bitcast3A_382, %bitcast3A_386 : vector<32xbf16>
          %add3A_388 = arith.addf %add3A_378, %mul3A_387 : vector<32xbf16>
          %get3A_389 = arith.index_cast %add3A_359 : i32 to index
          %get3A_390 = arith.constant 48 : index
          %get3A_391 = tpu.vector_load %arg10[%get3A_389, %get3A_390] {strides = array<i32>} : memref<128x64xi32, #tpu.memory_space<vmem>>, vector<16xi32>,
          %bitcast3A_392 = vector.bitcast %get3A_391 : vector<16xi32> to vector<32xbf16>
          %get3A_393 = arith.index_cast %add3A_359 : i32 to index
          %get3A_394 = arith.constant 48 : index
          %get3A_395 = tpu.vector_load %arg11[%get3A_393, %get3A_394] {strides = array<i32>} : memref<128x64xi32, #tpu.memory_space<vmem>>, vector<16xi32>,
          %bitcast3A_396 = vector.bitcast %get3A_395 : vector<16xi32> to vector<32xbf16>
          %mul3A_397 = arith.mulf %bitcast3A_392, %bitcast3A_396 : vector<32xbf16>
          %add3A_398 = arith.addf %add3A_388, %mul3A_397 : vector<32xbf16>
          %unpack3A_399 = tpu.unpack_subelements %add3A_398, 0 {pack_format = #tpu.pack_format<interleaved>} : vector<32xbf16> -> vector<16xf32>
          %unpack3A_400 = tpu.unpack_subelements %add3A_398, 1 {pack_format = #tpu.pack_format<interleaved>} : vector<32xbf16> -> vector<16xf32>
          %add3A_401 = arith.addf %unpack3A_399, %unpack3A_400 : vector<16xf32>
          %add3A_402 = arith.constant 4 : i32
          %add3A_403 = arith.addi %add3A_161, %add3A_402 : i32
          %mul3A_404 = arith.constant 16 : i32
          %mul3A_405 = arith.muli %add3A_403, %mul3A_404 : i32
          %swap3A_406 = arith.index_cast %mul3A_405 : i32 to index
          %swap3A_407 = tpu.vector_load %arg13[%swap3A_406] {strides = array<i32>} : memref<2048xf32, #tpu.memory_space<vmem>>, vector<16xf32>,
          tpu.vector_store %arg13[%swap3A_406], %add3A_401 {strides = array<i32>} : memref<2048xf32, #tpu.memory_space<vmem>>, vector<16xf32>,
          %add3A_408 = arith.constant 5 : i32
          %add3A_409 = arith.addi %add3A_161, %add3A_408 : i32
          %get3A_410 = arith.index_cast %add3A_409 : i32 to index
          %get3A_411 = arith.constant 0 : index
          %get3A_412 = tpu.vector_load %arg10[%get3A_410, %get3A_411] {strides = array<i32>} : memref<128x64xi32, #tpu.memory_space<vmem>>, vector<16xi32>,
          %bitcast3A_413 = vector.bitcast %get3A_412 : vector<16xi32> to vector<32xbf16>
          %get3A_414 = arith.index_cast %add3A_409 : i32 to index
          %get3A_415 = arith.constant 0 : index
          %get3A_416 = tpu.vector_load %arg11[%get3A_414, %get3A_415] {strides = array<i32>} : memref<128x64xi32, #tpu.memory_space<vmem>>, vector<16xi32>,
          %bitcast3A_417 = vector.bitcast %get3A_416 : vector<16xi32> to vector<32xbf16>
          %mul3A_418 = arith.mulf %bitcast3A_413, %bitcast3A_417 : vector<32xbf16>
          %get3A_419 = arith.index_cast %add3A_409 : i32 to index
          %get3A_420 = arith.constant 16 : index
          %get3A_421 = tpu.vector_load %arg10[%get3A_419, %get3A_420] {strides = array<i32>} : memref<128x64xi32, #tpu.memory_space<vmem>>, vector<16xi32>,
          %bitcast3A_422 = vector.bitcast %get3A_421 : vector<16xi32> to vector<32xbf16>
          %get3A_423 = arith.index_cast %add3A_409 : i32 to index
          %get3A_424 = arith.constant 16 : index
          %get3A_425 = tpu.vector_load %arg11[%get3A_423, %get3A_424] {strides = array<i32>} : memref<128x64xi32, #tpu.memory_space<vmem>>, vector<16xi32>,
          %bitcast3A_426 = vector.bitcast %get3A_425 : vector<16xi32> to vector<32xbf16>
          %mul3A_427 = arith.mulf %bitcast3A_422, %bitcast3A_426 : vector<32xbf16>
          %add3A_428 = arith.addf %mul3A_418, %mul3A_427 : vector<32xbf16>
          %get3A_429 = arith.index_cast %add3A_409 : i32 to index
          %get3A_430 = arith.constant 32 : index
          %get3A_431 = tpu.vector_load %arg10[%get3A_429, %get3A_430] {strides = array<i32>} : memref<128x64xi32, #tpu.memory_space<vmem>>, vector<16xi32>,
          %bitcast3A_432 = vector.bitcast %get3A_431 : vector<16xi32> to vector<32xbf16>
          %get3A_433 = arith.index_cast %add3A_409 : i32 to index
          %get3A_434 = arith.constant 32 : index
          %get3A_435 = tpu.vector_load %arg11[%get3A_433, %get3A_434] {strides = array<i32>} : memref<128x64xi32, #tpu.memory_space<vmem>>, vector<16xi32>,
          %bitcast3A_436 = vector.bitcast %get3A_435 : vector<16xi32> to vector<32xbf16>
          %mul3A_437 = arith.mulf %bitcast3A_432, %bitcast3A_436 : vector<32xbf16>
          %add3A_438 = arith.addf %add3A_428, %mul3A_437 : vector<32xbf16>
          %get3A_439 = arith.index_cast %add3A_409 : i32 to index
          %get3A_440 = arith.constant 48 : index
          %get3A_441 = tpu.vector_load %arg10[%get3A_439, %get3A_440] {strides = array<i32>} : memref<128x64xi32, #tpu.memory_space<vmem>>, vector<16xi32>,
          %bitcast3A_442 = vector.bitcast %get3A_441 : vector<16xi32> to vector<32xbf16>
          %get3A_443 = arith.index_cast %add3A_409 : i32 to index
          %get3A_444 = arith.constant 48 : index
          %get3A_445 = tpu.vector_load %arg11[%get3A_443, %get3A_444] {strides = array<i32>} : memref<128x64xi32, #tpu.memory_space<vmem>>, vector<16xi32>,
          %bitcast3A_446 = vector.bitcast %get3A_445 : vector<16xi32> to vector<32xbf16>
          %mul3A_447 = arith.mulf %bitcast3A_442, %bitcast3A_446 : vector<32xbf16>
          %add3A_448 = arith.addf %add3A_438, %mul3A_447 : vector<32xbf16>
          %unpack3A_449 = tpu.unpack_subelements %add3A_448, 0 {pack_format = #tpu.pack_format<interleaved>} : vector<32xbf16> -> vector<16xf32>
          %unpack3A_450 = tpu.unpack_subelements %add3A_448, 1 {pack_format = #tpu.pack_format<interleaved>} : vector<32xbf16> -> vector<16xf32>
          %add3A_451 = arith.addf %unpack3A_449, %unpack3A_450 : vector<16xf32>
          %add3A_452 = arith.constant 5 : i32
          %add3A_453 = arith.addi %add3A_161, %add3A_452 : i32
          %mul3A_454 = arith.constant 16 : i32
          %mul3A_455 = arith.muli %add3A_453, %mul3A_454 : i32
          %swap3A_456 = arith.index_cast %mul3A_455 : i32 to index
          %swap3A_457 = tpu.vector_load %arg13[%swap3A_456] {strides = array<i32>} : memref<2048xf32, #tpu.memory_space<vmem>>, vector<16xf32>,
          tpu.vector_store %arg13[%swap3A_456], %add3A_451 {strides = array<i32>} : memref<2048xf32, #tpu.memory_space<vmem>>, vector<16xf32>,
          %add3A_458 = arith.constant 6 : i32
          %add3A_459 = arith.addi %add3A_161, %add3A_458 : i32
          %get3A_460 = arith.index_cast %add3A_459 : i32 to index
          %get3A_461 = arith.constant 0 : index
          %get3A_462 = tpu.vector_load %arg10[%get3A_460, %get3A_461] {strides = array<i32>} : memref<128x64xi32, #tpu.memory_space<vmem>>, vector<16xi32>,
          %bitcast3A_463 = vector.bitcast %get3A_462 : vector<16xi32> to vector<32xbf16>
          %get3A_464 = arith.index_cast %add3A_459 : i32 to index
          %get3A_465 = arith.constant 0 : index
          %get3A_466 = tpu.vector_load %arg11[%get3A_464, %get3A_465] {strides = array<i32>} : memref<128x64xi32, #tpu.memory_space<vmem>>, vector<16xi32>,
          %bitcast3A_467 = vector.bitcast %get3A_466 : vector<16xi32> to vector<32xbf16>
          %mul3A_468 = arith.mulf %bitcast3A_463, %bitcast3A_467 : vector<32xbf16>
          %get3A_469 = arith.index_cast %add3A_459 : i32 to index
          %get3A_470 = arith.constant 16 : index
          %get3A_471 = tpu.vector_load %arg10[%get3A_469, %get3A_470] {strides = array<i32>} : memref<128x64xi32, #tpu.memory_space<vmem>>, vector<16xi32>,
          %bitcast3A_472 = vector.bitcast %get3A_471 : vector<16xi32> to vector<32xbf16>
          %get3A_473 = arith.index_cast %add3A_459 : i32 to index
          %get3A_474 = arith.constant 16 : index
          %get3A_475 = tpu.vector_load %arg11[%get3A_473, %get3A_474] {strides = array<i32>} : memref<128x64xi32, #tpu.memory_space<vmem>>, vector<16xi32>,
          %bitcast3A_476 = vector.bitcast %get3A_475 : vector<16xi32> to vector<32xbf16>
          %mul3A_477 = arith.mulf %bitcast3A_472, %bitcast3A_476 : vector<32xbf16>
          %add3A_478 = arith.addf %mul3A_468, %mul3A_477 : vector<32xbf16>
          %get3A_479 = arith.index_cast %add3A_459 : i32 to index
          %get3A_480 = arith.constant 32 : index
          %get3A_481 = tpu.vector_load %arg10[%get3A_479, %get3A_480] {strides = array<i32>} : memref<128x64xi32, #tpu.memory_space<vmem>>, vector<16xi32>,
          %bitcast3A_482 = vector.bitcast %get3A_481 : vector<16xi32> to vector<32xbf16>
          %get3A_483 = arith.index_cast %add3A_459 : i32 to index
          %get3A_484 = arith.constant 32 : index
          %get3A_485 = tpu.vector_load %arg11[%get3A_483, %get3A_484] {strides = array<i32>} : memref<128x64xi32, #tpu.memory_space<vmem>>, vector<16xi32>,
          %bitcast3A_486 = vector.bitcast %get3A_485 : vector<16xi32> to vector<32xbf16>
          %mul3A_487 = arith.mulf %bitcast3A_482, %bitcast3A_486 : vector<32xbf16>
          %add3A_488 = arith.addf %add3A_478, %mul3A_487 : vector<32xbf16>
          %get3A_489 = arith.index_cast %add3A_459 : i32 to index
          %get3A_490 = arith.constant 48 : index
          %get3A_491 = tpu.vector_load %arg10[%get3A_489, %get3A_490] {strides = array<i32>} : memref<128x64xi32, #tpu.memory_space<vmem>>, vector<16xi32>,
          %bitcast3A_492 = vector.bitcast %get3A_491 : vector<16xi32> to vector<32xbf16>
          %get3A_493 = arith.index_cast %add3A_459 : i32 to index
          %get3A_494 = arith.constant 48 : index
          %get3A_495 = tpu.vector_load %arg11[%get3A_493, %get3A_494] {strides = array<i32>} : memref<128x64xi32, #tpu.memory_space<vmem>>, vector<16xi32>,
          %bitcast3A_496 = vector.bitcast %get3A_495 : vector<16xi32> to vector<32xbf16>
          %mul3A_497 = arith.mulf %bitcast3A_492, %bitcast3A_496 : vector<32xbf16>
          %add3A_498 = arith.addf %add3A_488, %mul3A_497 : vector<32xbf16>
          %unpack3A_499 = tpu.unpack_subelements %add3A_498, 0 {pack_format = #tpu.pack_format<interleaved>} : vector<32xbf16> -> vector<16xf32>
          %unpack3A_500 = tpu.unpack_subelements %add3A_498, 1 {pack_format = #tpu.pack_format<interleaved>} : vector<32xbf16> -> vector<16xf32>
          %add3A_501 = arith.addf %unpack3A_499, %unpack3A_500 : vector<16xf32>
          %add3A_502 = arith.constant 6 : i32
          %add3A_503 = arith.addi %add3A_161, %add3A_502 : i32
          %mul3A_504 = arith.constant 16 : i32
          %mul3A_505 = arith.muli %add3A_503, %mul3A_504 : i32
          %swap3A_506 = arith.index_cast %mul3A_505 : i32 to index
          %swap3A_507 = tpu.vector_load %arg13[%swap3A_506] {strides = array<i32>} : memref<2048xf32, #tpu.memory_space<vmem>>, vector<16xf32>,
          tpu.vector_store %arg13[%swap3A_506], %add3A_501 {strides = array<i32>} : memref<2048xf32, #tpu.memory_space<vmem>>, vector<16xf32>,
          %add3A_508 = arith.constant 7 : i32
          %add3A_509 = arith.addi %add3A_161, %add3A_508 : i32
          %get3A_510 = arith.index_cast %add3A_509 : i32 to index
          %get3A_511 = arith.constant 0 : index
          %get3A_512 = tpu.vector_load %arg10[%get3A_510, %get3A_511] {strides = array<i32>} : memref<128x64xi32, #tpu.memory_space<vmem>>, vector<16xi32>,
          %bitcast3A_513 = vector.bitcast %get3A_512 : vector<16xi32> to vector<32xbf16>
          %get3A_514 = arith.index_cast %add3A_509 : i32 to index
          %get3A_515 = arith.constant 0 : index
          %get3A_516 = tpu.vector_load %arg11[%get3A_514, %get3A_515] {strides = array<i32>} : memref<128x64xi32, #tpu.memory_space<vmem>>, vector<16xi32>,
          %bitcast3A_517 = vector.bitcast %get3A_516 : vector<16xi32> to vector<32xbf16>
          %mul3A_518 = arith.mulf %bitcast3A_513, %bitcast3A_517 : vector<32xbf16>
          %get3A_519 = arith.index_cast %add3A_509 : i32 to index
          %get3A_520 = arith.constant 16 : index
          %get3A_521 = tpu.vector_load %arg10[%get3A_519, %get3A_520] {strides = array<i32>} : memref<128x64xi32, #tpu.memory_space<vmem>>, vector<16xi32>,
          %bitcast3A_522 = vector.bitcast %get3A_521 : vector<16xi32> to vector<32xbf16>
          %get3A_523 = arith.index_cast %add3A_509 : i32 to index
          %get3A_524 = arith.constant 16 : index
          %get3A_525 = tpu.vector_load %arg11[%get3A_523, %get3A_524] {strides = array<i32>} : memref<128x64xi32, #tpu.memory_space<vmem>>, vector<16xi32>,
          %bitcast3A_526 = vector.bitcast %get3A_525 : vector<16xi32> to vector<32xbf16>
          %mul3A_527 = arith.mulf %bitcast3A_522, %bitcast3A_526 : vector<32xbf16>
          %add3A_528 = arith.addf %mul3A_518, %mul3A_527 : vector<32xbf16>
          %get3A_529 = arith.index_cast %add3A_509 : i32 to index
          %get3A_530 = arith.constant 32 : index
          %get3A_531 = tpu.vector_load %arg10[%get3A_529, %get3A_530] {strides = array<i32>} : memref<128x64xi32, #tpu.memory_space<vmem>>, vector<16xi32>,
          %bitcast3A_532 = vector.bitcast %get3A_531 : vector<16xi32> to vector<32xbf16>
          %get3A_533 = arith.index_cast %add3A_509 : i32 to index
          %get3A_534 = arith.constant 32 : index
          %get3A_535 = tpu.vector_load %arg11[%get3A_533, %get3A_534] {strides = array<i32>} : memref<128x64xi32, #tpu.memory_space<vmem>>, vector<16xi32>,
          %bitcast3A_536 = vector.bitcast %get3A_535 : vector<16xi32> to vector<32xbf16>
          %mul3A_537 = arith.mulf %bitcast3A_532, %bitcast3A_536 : vector<32xbf16>
          %add3A_538 = arith.addf %add3A_528, %mul3A_537 : vector<32xbf16>
          %get3A_539 = arith.index_cast %add3A_509 : i32 to index
          %get3A_540 = arith.constant 48 : index
          %get3A_541 = tpu.vector_load %arg10[%get3A_539, %get3A_540] {strides = array<i32>} : memref<128x64xi32, #tpu.memory_space<vmem>>, vector<16xi32>,
          %bitcast3A_542 = vector.bitcast %get3A_541 : vector<16xi32> to vector<32xbf16>
          %get3A_543 = arith.index_cast %add3A_509 : i32 to index
          %get3A_544 = arith.constant 48 : index
          %get3A_545 = tpu.vector_load %arg11[%get3A_543, %get3A_544] {strides = array<i32>} : memref<128x64xi32, #tpu.memory_space<vmem>>, vector<16xi32>,
          %bitcast3A_546 = vector.bitcast %get3A_545 : vector<16xi32> to vector<32xbf16>
          %mul3A_547 = arith.mulf %bitcast3A_542, %bitcast3A_546 : vector<32xbf16>
          %add3A_548 = arith.addf %add3A_538, %mul3A_547 : vector<32xbf16>
          %unpack3A_549 = tpu.unpack_subelements %add3A_548, 0 {pack_format = #tpu.pack_format<interleaved>} : vector<32xbf16> -> vector<16xf32>
          %unpack3A_550 = tpu.unpack_subelements %add3A_548, 1 {pack_format = #tpu.pack_format<interleaved>} : vector<32xbf16> -> vector<16xf32>
          %add3A_551 = arith.addf %unpack3A_549, %unpack3A_550 : vector<16xf32>
          %add3A_552 = arith.constant 7 : i32
          %add3A_553 = arith.addi %add3A_161, %add3A_552 : i32
          %mul3A_554 = arith.constant 16 : i32
          %mul3A_555 = arith.muli %add3A_553, %mul3A_554 : i32
          %swap3A_556 = arith.index_cast %mul3A_555 : i32 to index
          %swap3A_557 = tpu.vector_load %arg13[%swap3A_556] {strides = array<i32>} : memref<2048xf32, #tpu.memory_space<vmem>>, vector<16xf32>,
          tpu.vector_store %arg13[%swap3A_556], %add3A_551 {strides = array<i32>} : memref<2048xf32, #tpu.memory_space<vmem>>, vector<16xf32>,
        }
        %scan3A_140 = arith.constant 16 : i32
        %scan3A_141 = arith.constant 0 : i32
        %scan3A_142 = arith.constant 4 : i32
        %scan3A_143 = arith.addi %scan3A_141, %scan3A_142 : i32
        %scan3A_144 = arith.constant 1 : i32
        scf.for %scan3A_157 = %scan3A_141 to %scan3A_143 step %scan3A_144  : i32 {
          %mul3A_158 = arith.constant 2 : i32
          %mul3A_159 = arith.muli %scan3A_157, %mul3A_158 : i32
          %add3A_160 = arith.constant 0 : i32
          %add3A_161 = arith.addi %add3A_160, %mul3A_159 : i32
          %add3A_162 = arith.constant 0 : i32
          %add3A_163 = arith.addi %add3A_161, %add3A_162 : i32
          %mul3A_164 = arith.constant 256 : i32
          %mul3A_165 = arith.muli %add3A_163, %mul3A_164 : i32
          %add3A_166 = vector.broadcast %mul3A_165 : i32 to vector<16xi32>
          %add3A_167 = arith.addi %mul3A_15, %add3A_166 : vector<16xi32>
          %gather3A = tpu.vector_load_idx %arg13[%add3A_167] : memref<2048xf32, #tpu.memory_space<vmem>>[vector<16xi32>], vector<16xf32>,
          %add3A_168 = arith.constant 1 : i32
          %add3A_169 = arith.addi %mul3A_165, %add3A_168 : i32
          %add3A_170 = vector.broadcast %add3A_169 : i32 to vector<16xi32>
          %add3A_171 = arith.addi %mul3A_15, %add3A_170 : vector<16xi32>
          %gather3A_172 = tpu.vector_load_idx %arg13[%add3A_171] : memref<2048xf32, #tpu.memory_space<vmem>>[vector<16xi32>], vector<16xf32>,
          %add3A_173 = arith.addf %gather3A, %gather3A_172 : vector<16xf32>
          %add3A_174 = arith.constant 2 : i32
          %add3A_175 = arith.addi %mul3A_165, %add3A_174 : i32
          %add3A_176 = vector.broadcast %add3A_175 : i32 to vector<16xi32>
          %add3A_177 = arith.addi %mul3A_15, %add3A_176 : vector<16xi32>
          %gather3A_178 = tpu.vector_load_idx %arg13[%add3A_177] : memref<2048xf32, #tpu.memory_space<vmem>>[vector<16xi32>], vector<16xf32>,
          %add3A_179 = arith.addf %add3A_173, %gather3A_178 : vector<16xf32>
          %add3A_180 = arith.constant 3 : i32
          %add3A_181 = arith.addi %mul3A_165, %add3A_180 : i32
          %add3A_182 = vector.broadcast %add3A_181 : i32 to vector<16xi32>
          %add3A_183 = arith.addi %mul3A_15, %add3A_182 : vector<16xi32>
          %gather3A_184 = tpu.vector_load_idx %arg13[%add3A_183] : memref<2048xf32, #tpu.memory_space<vmem>>[vector<16xi32>], vector<16xf32>,
          %add3A_185 = arith.addf %add3A_179, %gather3A_184 : vector<16xf32>
          %add3A_186 = arith.constant 4 : i32
          %add3A_187 = arith.addi %mul3A_165, %add3A_186 : i32
          %add3A_188 = vector.broadcast %add3A_187 : i32 to vector<16xi32>
          %add3A_189 = arith.addi %mul3A_15, %add3A_188 : vector<16xi32>
          %gather3A_190 = tpu.vector_load_idx %arg13[%add3A_189] : memref<2048xf32, #tpu.memory_space<vmem>>[vector<16xi32>], vector<16xf32>,
          %add3A_191 = arith.addf %add3A_185, %gather3A_190 : vector<16xf32>
          %add3A_192 = arith.constant 5 : i32
          %add3A_193 = arith.addi %mul3A_165, %add3A_192 : i32
          %add3A_194 = vector.broadcast %add3A_193 : i32 to vector<16xi32>
          %add3A_195 = arith.addi %mul3A_15, %add3A_194 : vector<16xi32>
          %gather3A_196 = tpu.vector_load_idx %arg13[%add3A_195] : memref<2048xf32, #tpu.memory_space<vmem>>[vector<16xi32>], vector<16xf32>,
          %add3A_197 = arith.addf %add3A_191, %gather3A_196 : vector<16xf32>
          %add3A_198 = arith.constant 6 : i32
          %add3A_199 = arith.addi %mul3A_165, %add3A_198 : i32
          %add3A_200 = vector.broadcast %add3A_199 : i32 to vector<16xi32>
          %add3A_201 = arith.addi %mul3A_15, %add3A_200 : vector<16xi32>
          %gather3A_202 = tpu.vector_load_idx %arg13[%add3A_201] : memref<2048xf32, #tpu.memory_space<vmem>>[vector<16xi32>], vector<16xf32>,
          %add3A_203 = arith.addf %add3A_197, %gather3A_202 : vector<16xf32>
          %add3A_204 = arith.constant 7 : i32
          %add3A_205 = arith.addi %mul3A_165, %add3A_204 : i32
          %add3A_206 = vector.broadcast %add3A_205 : i32 to vector<16xi32>
          %add3A_207 = arith.addi %mul3A_15, %add3A_206 : vector<16xi32>
          %gather3A_208 = tpu.vector_load_idx %arg13[%add3A_207] : memref<2048xf32, #tpu.memory_space<vmem>>[vector<16xi32>], vector<16xf32>,
          %add3A_209 = arith.addf %add3A_203, %gather3A_208 : vector<16xf32>
          %add3A_210 = arith.constant 8 : i32
          %add3A_211 = arith.addi %mul3A_165, %add3A_210 : i32
          %add3A_212 = vector.broadcast %add3A_211 : i32 to vector<16xi32>
          %add3A_213 = arith.addi %mul3A_15, %add3A_212 : vector<16xi32>
          %gather3A_214 = tpu.vector_load_idx %arg13[%add3A_213] : memref<2048xf32, #tpu.memory_space<vmem>>[vector<16xi32>], vector<16xf32>,
          %add3A_215 = arith.addf %add3A_209, %gather3A_214 : vector<16xf32>
          %add3A_216 = arith.constant 9 : i32
          %add3A_217 = arith.addi %mul3A_165, %add3A_216 : i32
          %add3A_218 = vector.broadcast %add3A_217 : i32 to vector<16xi32>
          %add3A_219 = arith.addi %mul3A_15, %add3A_218 : vector<16xi32>
          %gather3A_220 = tpu.vector_load_idx %arg13[%add3A_219] : memref<2048xf32, #tpu.memory_space<vmem>>[vector<16xi32>], vector<16xf32>,
          %add3A_221 = arith.addf %add3A_215, %gather3A_220 : vector<16xf32>
          %add3A_222 = arith.constant 10 : i32
          %add3A_223 = arith.addi %mul3A_165, %add3A_222 : i32
          %add3A_224 = vector.broadcast %add3A_223 : i32 to vector<16xi32>
          %add3A_225 = arith.addi %mul3A_15, %add3A_224 : vector<16xi32>
          %gather3A_226 = tpu.vector_load_idx %arg13[%add3A_225] : memref<2048xf32, #tpu.memory_space<vmem>>[vector<16xi32>], vector<16xf32>,
          %add3A_227 = arith.addf %add3A_221, %gather3A_226 : vector<16xf32>
          %add3A_228 = arith.constant 11 : i32
          %add3A_229 = arith.addi %mul3A_165, %add3A_228 : i32
          %add3A_230 = vector.broadcast %add3A_229 : i32 to vector<16xi32>
          %add3A_231 = arith.addi %mul3A_15, %add3A_230 : vector<16xi32>
          %gather3A_232 = tpu.vector_load_idx %arg13[%add3A_231] : memref<2048xf32, #tpu.memory_space<vmem>>[vector<16xi32>], vector<16xf32>,
          %add3A_233 = arith.addf %add3A_227, %gather3A_232 : vector<16xf32>
          %add3A_234 = arith.constant 12 : i32
          %add3A_235 = arith.addi %mul3A_165, %add3A_234 : i32
          %add3A_236 = vector.broadcast %add3A_235 : i32 to vector<16xi32>
          %add3A_237 = arith.addi %mul3A_15, %add3A_236 : vector<16xi32>
          %gather3A_238 = tpu.vector_load_idx %arg13[%add3A_237] : memref<2048xf32, #tpu.memory_space<vmem>>[vector<16xi32>], vector<16xf32>,
          %add3A_239 = arith.addf %add3A_233, %gather3A_238 : vector<16xf32>
          %add3A_240 = arith.constant 13 : i32
          %add3A_241 = arith.addi %mul3A_165, %add3A_240 : i32
          %add3A_242 = vector.broadcast %add3A_241 : i32 to vector<16xi32>
          %add3A_243 = arith.addi %mul3A_15, %add3A_242 : vector<16xi32>
          %gather3A_244 = tpu.vector_load_idx %arg13[%add3A_243] : memref<2048xf32, #tpu.memory_space<vmem>>[vector<16xi32>], vector<16xf32>,
          %add3A_245 = arith.addf %add3A_239, %gather3A_244 : vector<16xf32>
          %add3A_246 = arith.constant 14 : i32
          %add3A_247 = arith.addi %mul3A_165, %add3A_246 : i32
          %add3A_248 = vector.broadcast %add3A_247 : i32 to vector<16xi32>
          %add3A_249 = arith.addi %mul3A_15, %add3A_248 : vector<16xi32>
          %gather3A_250 = tpu.vector_load_idx %arg13[%add3A_249] : memref<2048xf32, #tpu.memory_space<vmem>>[vector<16xi32>], vector<16xf32>,
          %add3A_251 = arith.addf %add3A_245, %gather3A_250 : vector<16xf32>
          %add3A_252 = arith.constant 15 : i32
          %add3A_253 = arith.addi %mul3A_165, %add3A_252 : i32
          %add3A_254 = vector.broadcast %add3A_253 : i32 to vector<16xi32>
          %add3A_255 = arith.addi %mul3A_15, %add3A_254 : vector<16xi32>
          %gather3A_256 = tpu.vector_load_idx %arg13[%add3A_255] : memref<2048xf32, #tpu.memory_space<vmem>>[vector<16xi32>], vector<16xf32>,
          %add3A_257 = arith.addf %add3A_251, %gather3A_256 : vector<16xf32>
          %add3A_258 = arith.constant 0 : i32
          %add3A_259 = arith.addi %add3A_161, %add3A_258 : i32
          %mul3A_260 = arith.constant 16 : i32
          %mul3A_261 = arith.muli %add3A_259, %mul3A_260 : i32
          %swap3A = arith.index_cast %mul3A_261 : i32 to index
          %swap3A_262 = tpu.vector_load %arg15[%swap3A] {strides = array<i32>} : memref<128xf32, #tpu.memory_space<vmem>>, vector<16xf32>,
          tpu.vector_store %arg15[%swap3A], %add3A_257 {strides = array<i32>} : memref<128xf32, #tpu.memory_space<vmem>>, vector<16xf32>,
          %add3A_263 = arith.constant 1 : i32
          %add3A_264 = arith.addi %add3A_161, %add3A_263 : i32
          %mul3A_265 = arith.constant 256 : i32
          %mul3A_266 = arith.muli %add3A_264, %mul3A_265 : i32
          %add3A_267 = vector.broadcast %mul3A_266 : i32 to vector<16xi32>
          %add3A_268 = arith.addi %mul3A_15, %add3A_267 : vector<16xi32>
          %gather3A_269 = tpu.vector_load_idx %arg13[%add3A_268] : memref<2048xf32, #tpu.memory_space<vmem>>[vector<16xi32>], vector<16xf32>,
          %add3A_270 = arith.constant 1 : i32
          %add3A_271 = arith.addi %mul3A_266, %add3A_270 : i32
          %add3A_272 = vector.broadcast %add3A_271 : i32 to vector<16xi32>
          %add3A_273 = arith.addi %mul3A_15, %add3A_272 : vector<16xi32>
          %gather3A_274 = tpu.vector_load_idx %arg13[%add3A_273] : memref<2048xf32, #tpu.memory_space<vmem>>[vector<16xi32>], vector<16xf32>,
          %add3A_275 = arith.addf %gather3A_269, %gather3A_274 : vector<16xf32>
          %add3A_276 = arith.constant 2 : i32
          %add3A_277 = arith.addi %mul3A_266, %add3A_276 : i32
          %add3A_278 = vector.broadcast %add3A_277 : i32 to vector<16xi32>
          %add3A_279 = arith.addi %mul3A_15, %add3A_278 : vector<16xi32>
          %gather3A_280 = tpu.vector_load_idx %arg13[%add3A_279] : memref<2048xf32, #tpu.memory_space<vmem>>[vector<16xi32>], vector<16xf32>,
          %add3A_281 = arith.addf %add3A_275, %gather3A_280 : vector<16xf32>
          %add3A_282 = arith.constant 3 : i32
          %add3A_283 = arith.addi %mul3A_266, %add3A_282 : i32
          %add3A_284 = vector.broadcast %add3A_283 : i32 to vector<16xi32>
          %add3A_285 = arith.addi %mul3A_15, %add3A_284 : vector<16xi32>
          %gather3A_286 = tpu.vector_load_idx %arg13[%add3A_285] : memref<2048xf32, #tpu.memory_space<vmem>>[vector<16xi32>], vector<16xf32>,
          %add3A_287 = arith.addf %add3A_281, %gather3A_286 : vector<16xf32>
          %add3A_288 = arith.constant 4 : i32
          %add3A_289 = arith.addi %mul3A_266, %add3A_288 : i32
          %add3A_290 = vector.broadcast %add3A_289 : i32 to vector<16xi32>
          %add3A_291 = arith.addi %mul3A_15, %add3A_290 : vector<16xi32>
          %gather3A_292 = tpu.vector_load_idx %arg13[%add3A_291] : memref<2048xf32, #tpu.memory_space<vmem>>[vector<16xi32>], vector<16xf32>,
          %add3A_293 = arith.addf %add3A_287, %gather3A_292 : vector<16xf32>
          %add3A_294 = arith.constant 5 : i32
          %add3A_295 = arith.addi %mul3A_266, %add3A_294 : i32
          %add3A_296 = vector.broadcast %add3A_295 : i32 to vector<16xi32>
          %add3A_297 = arith.addi %mul3A_15, %add3A_296 : vector<16xi32>
          %gather3A_298 = tpu.vector_load_idx %arg13[%add3A_297] : memref<2048xf32, #tpu.memory_space<vmem>>[vector<16xi32>], vector<16xf32>,
          %add3A_299 = arith.addf %add3A_293, %gather3A_298 : vector<16xf32>
          %add3A_300 = arith.constant 6 : i32
          %add3A_301 = arith.addi %mul3A_266, %add3A_300 : i32
          %add3A_302 = vector.broadcast %add3A_301 : i32 to vector<16xi32>
          %add3A_303 = arith.addi %mul3A_15, %add3A_302 : vector<16xi32>
          %gather3A_304 = tpu.vector_load_idx %arg13[%add3A_303] : memref<2048xf32, #tpu.memory_space<vmem>>[vector<16xi32>], vector<16xf32>,
          %add3A_305 = arith.addf %add3A_299, %gather3A_304 : vector<16xf32>
          %add3A_306 = arith.constant 7 : i32
          %add3A_307 = arith.addi %mul3A_266, %add3A_306 : i32
          %add3A_308 = vector.broadcast %add3A_307 : i32 to vector<16xi32>
          %add3A_309 = arith.addi %mul3A_15, %add3A_308 : vector<16xi32>
          %gather3A_310 = tpu.vector_load_idx %arg13[%add3A_309] : memref<2048xf32, #tpu.memory_space<vmem>>[vector<16xi32>], vector<16xf32>,
          %add3A_311 = arith.addf %add3A_305, %gather3A_310 : vector<16xf32>
          %add3A_312 = arith.constant 8 : i32
          %add3A_313 = arith.addi %mul3A_266, %add3A_312 : i32
          %add3A_314 = vector.broadcast %add3A_313 : i32 to vector<16xi32>
          %add3A_315 = arith.addi %mul3A_15, %add3A_314 : vector<16xi32>
          %gather3A_316 = tpu.vector_load_idx %arg13[%add3A_315] : memref<2048xf32, #tpu.memory_space<vmem>>[vector<16xi32>], vector<16xf32>,
          %add3A_317 = arith.addf %add3A_311, %gather3A_316 : vector<16xf32>
          %add3A_318 = arith.constant 9 : i32
          %add3A_319 = arith.addi %mul3A_266, %add3A_318 : i32
          %add3A_320 = vector.broadcast %add3A_319 : i32 to vector<16xi32>
          %add3A_321 = arith.addi %mul3A_15, %add3A_320 : vector<16xi32>
          %gather3A_322 = tpu.vector_load_idx %arg13[%add3A_321] : memref<2048xf32, #tpu.memory_space<vmem>>[vector<16xi32>], vector<16xf32>,
          %add3A_323 = arith.addf %add3A_317, %gather3A_322 : vector<16xf32>
          %add3A_324 = arith.constant 10 : i32
          %add3A_325 = arith.addi %mul3A_266, %add3A_324 : i32
          %add3A_326 = vector.broadcast %add3A_325 : i32 to vector<16xi32>
          %add3A_327 = arith.addi %mul3A_15, %add3A_326 : vector<16xi32>
          %gather3A_328 = tpu.vector_load_idx %arg13[%add3A_327] : memref<2048xf32, #tpu.memory_space<vmem>>[vector<16xi32>], vector<16xf32>,
          %add3A_329 = arith.addf %add3A_323, %gather3A_328 : vector<16xf32>
          %add3A_330 = arith.constant 11 : i32
          %add3A_331 = arith.addi %mul3A_266, %add3A_330 : i32
          %add3A_332 = vector.broadcast %add3A_331 : i32 to vector<16xi32>
          %add3A_333 = arith.addi %mul3A_15, %add3A_332 : vector<16xi32>
          %gather3A_334 = tpu.vector_load_idx %arg13[%add3A_333] : memref<2048xf32, #tpu.memory_space<vmem>>[vector<16xi32>], vector<16xf32>,
          %add3A_335 = arith.addf %add3A_329, %gather3A_334 : vector<16xf32>
          %add3A_336 = arith.constant 12 : i32
          %add3A_337 = arith.addi %mul3A_266, %add3A_336 : i32
          %add3A_338 = vector.broadcast %add3A_337 : i32 to vector<16xi32>
          %add3A_339 = arith.addi %mul3A_15, %add3A_338 : vector<16xi32>
          %gather3A_340 = tpu.vector_load_idx %arg13[%add3A_339] : memref<2048xf32, #tpu.memory_space<vmem>>[vector<16xi32>], vector<16xf32>,
          %add3A_341 = arith.addf %add3A_335, %gather3A_340 : vector<16xf32>
          %add3A_342 = arith.constant 13 : i32
          %add3A_343 = arith.addi %mul3A_266, %add3A_342 : i32
          %add3A_344 = vector.broadcast %add3A_343 : i32 to vector<16xi32>
          %add3A_345 = arith.addi %mul3A_15, %add3A_344 : vector<16xi32>
          %gather3A_346 = tpu.vector_load_idx %arg13[%add3A_345] : memref<2048xf32, #tpu.memory_space<vmem>>[vector<16xi32>], vector<16xf32>,
          %add3A_347 = arith.addf %add3A_341, %gather3A_346 : vector<16xf32>
          %add3A_348 = arith.constant 14 : i32
          %add3A_349 = arith.addi %mul3A_266, %add3A_348 : i32
          %add3A_350 = vector.broadcast %add3A_349 : i32 to vector<16xi32>
          %add3A_351 = arith.addi %mul3A_15, %add3A_350 : vector<16xi32>
          %gather3A_352 = tpu.vector_load_idx %arg13[%add3A_351] : memref<2048xf32, #tpu.memory_space<vmem>>[vector<16xi32>], vector<16xf32>,
          %add3A_353 = arith.addf %add3A_347, %gather3A_352 : vector<16xf32>
          %add3A_354 = arith.constant 15 : i32
          %add3A_355 = arith.addi %mul3A_266, %add3A_354 : i32
          %add3A_356 = vector.broadcast %add3A_355 : i32 to vector<16xi32>
          %add3A_357 = arith.addi %mul3A_15, %add3A_356 : vector<16xi32>
          %gather3A_358 = tpu.vector_load_idx %arg13[%add3A_357] : memref<2048xf32, #tpu.memory_space<vmem>>[vector<16xi32>], vector<16xf32>,
          %add3A_359 = arith.addf %add3A_353, %gather3A_358 : vector<16xf32>
          %add3A_360 = arith.constant 1 : i32
          %add3A_361 = arith.addi %add3A_161, %add3A_360 : i32
          %mul3A_362 = arith.constant 16 : i32
          %mul3A_363 = arith.muli %add3A_361, %mul3A_362 : i32
          %swap3A_364 = arith.index_cast %mul3A_363 : i32 to index
          %swap3A_365 = tpu.vector_load %arg15[%swap3A_364] {strides = array<i32>} : memref<128xf32, #tpu.memory_space<vmem>>, vector<16xf32>,
          tpu.vector_store %arg15[%swap3A_364], %add3A_359 {strides = array<i32>} : memref<128xf32, #tpu.memory_space<vmem>>, vector<16xf32>,
        }
        %scan3A_145 = arith.constant 4 : i32
        %mul3A_146 = arith.constant 128 : i32
        %mul3A_147 = arith.muli %add3A_116, %mul3A_146 : i32
        %add3A_148 = arith.addi %mul3A_10, %mul3A_147 : i32
        %dma_start3A_149 = tpu.memref_slice %arg5[%add3A_148] : memref<320000xf32, #tpu.memory_space<hbm>> -> memref<128xf32, #tpu.memory_space<hbm>>
        %dma_start3A_150 = tpu.memref_slice %arg5[%add3A_148] : memref<320000xf32, #tpu.memory_space<hbm>> -> memref<128xf32, #tpu.memory_space<hbm>>
        tpu.enqueue_dma source(%arg15 : memref<128xf32, #tpu.memory_space<vmem>>) target(%dma_start3A_150 : memref<128xf32, #tpu.memory_space<hbm>>) target_semaphore(%arg19 : memref<!tpu.dma_semaphore, #tpu.memory_space<semaphore_mem>>)
        %add3A_151 = arith.constant 2 : i32
        %add3A_152 = arith.addi %add3A_116, %add3A_151 : i32
        %lt3A_153 = arith.cmpi slt, %add3A_152, %add3A_4 : i32
        %convert_element_type3A_154 = arith.extui %lt3A_153 : i1 to i32
        %cond3A_155 = arith.constant 0 : i32
        %cond3A_156 = arith.cmpi ne, %convert_element_type3A_154, %cond3A_155 : i32
        scf.if %cond3A_156 {
          %add3A_157 = arith.constant 2 : i32
          %add3A_158 = arith.addi %add3A_116, %add3A_157 : i32
          %mul3A_159 = arith.constant 128 : i32
          %mul3A_160 = arith.muli %add3A_158, %mul3A_159 : i32
          %add3A_161 = arith.addi %sub3A, %mul3A_160 : i32
          %dma_start3A_162 = tpu.memref_slice %arg6[%add3A_161] : memref<10112xi32, #tpu.memory_space<vmem>> -> memref<128xi32, #tpu.memory_space<vmem>>
          %dma_start3A_163 = arith.constant 0 : i32
          %dma_start3A_164 = arith.constant 0 : i32
          %dma_start3A_165 = tpu.memref_slice %arg12[%dma_start3A_163, %dma_start3A_164] : memref<10000x64xi32, #tpu.memory_space<vmem_shared>> -> memref<10000x64xi32, #tpu.memory_space<vmem_shared>>
          tpu.enqueue_indirect_dma source(%dma_start3A_165 : memref<10000x64xi32, #tpu.memory_space<vmem_shared>>) target(%arg10 : memref<128x64xi32, #tpu.memory_space<vmem>>) offsets(%dma_start3A_162 : memref<128xi32, #tpu.memory_space<vmem>>) semaphore(%arg17 : memref<!tpu.dma_semaphore, #tpu.memory_space<semaphore_mem>>)
          %dma_start3A_166 = tpu.memref_slice %arg7[%add3A_161] : memref<10112xi32, #tpu.memory_space<vmem>> -> memref<128xi32, #tpu.memory_space<vmem>>
          %dma_start3A_167 = arith.constant 0 : i32
          %dma_start3A_168 = arith.constant 0 : i32
          %dma_start3A_169 = tpu.memref_slice %arg12[%dma_start3A_167, %dma_start3A_168] : memref<10000x64xi32, #tpu.memory_space<vmem_shared>> -> memref<10000x64xi32, #tpu.memory_space<vmem_shared>>
          tpu.enqueue_indirect_dma source(%dma_start3A_169 : memref<10000x64xi32, #tpu.memory_space<vmem_shared>>) target(%arg11 : memref<128x64xi32, #tpu.memory_space<vmem>>) offsets(%dma_start3A_166 : memref<128xi32, #tpu.memory_space<vmem>>) semaphore(%arg17 : memref<!tpu.dma_semaphore, #tpu.memory_space<semaphore_mem>>)
        } else {
        }
      } else {
      }
    }
    %scan3A_47 = arith.constant 40 : i32
    %sub3A_48 = arith.constant 1 : i32
    %sub3A_49 = arith.subi %add3A_4, %sub3A_48 : i32
    %jit3A_50 = arith.constant 2 : i32
    %eq3A_51 = arith.constant 0 : i32
    %eq3A_52 = arith.cmpi eq, %jit3A_50, %eq3A_51 : i32
    %jit3A_53 = arith.constant 1 : i32
    %select_n3A_54 = arith.select %eq3A_52, %jit3A_53, %jit3A_50 : i32
    %rem3A = arith.remsi %sub3A_49, %select_n3A_54 : i32
    %ne3A = arith.constant 0 : i32
    %ne3A_55 = arith.cmpi ne, %rem3A, %ne3A : i32
    %lt3A_56 = arith.constant 0 : i32
    %lt3A_57 = arith.cmpi slt, %rem3A, %lt3A_56 : i32
    %lt3A_58 = arith.constant 0 : i32
    %lt3A_59 = arith.cmpi slt, %select_n3A_54, %lt3A_58 : i32
    %ne3A_60 = arith.xori %lt3A_57, %lt3A_59 : i1
    %and3A = arith.andi %ne3A_60, %ne3A_55 : i1
    %add3A_61 = arith.addi %rem3A, %select_n3A_54 : i32
    %select_n3A_62 = arith.select %and3A, %add3A_61, %rem3A : i32
    %eq3A_63 = arith.constant 0 : i32
    %eq3A_64 = arith.cmpi eq, %select_n3A_62, %eq3A_63 : i32
    %sub3A_65 = arith.constant 1 : i32
    %sub3A_66 = arith.subi %add3A_4, %sub3A_65 : i32
    %sub3A_67 = arith.constant 2 : i32
    %sub3A_68 = arith.subi %add3A_4, %sub3A_67 : i32
    %select_n3A_69 = arith.select %eq3A_64, %sub3A_66, %sub3A_68 : i32
    %sub3A_70 = arith.constant 1 : i32
    %sub3A_71 = arith.subi %add3A_4, %sub3A_70 : i32
    %jit3A_72 = arith.constant 2 : i32
    %eq3A_73 = arith.constant 0 : i32
    %eq3A_74 = arith.cmpi eq, %jit3A_72, %eq3A_73 : i32
    %jit3A_75 = arith.constant 1 : i32
    %select_n3A_76 = arith.select %eq3A_74, %jit3A_75, %jit3A_72 : i32
    %rem3A_77 = arith.remsi %sub3A_71, %select_n3A_76 : i32
    %ne3A_78 = arith.constant 0 : i32
    %ne3A_79 = arith.cmpi ne, %rem3A_77, %ne3A_78 : i32
    %lt3A_80 = arith.constant 0 : i32
    %lt3A_81 = arith.cmpi slt, %rem3A_77, %lt3A_80 : i32
    %lt3A_82 = arith.constant 0 : i32
    %lt3A_83 = arith.cmpi slt, %select_n3A_76, %lt3A_82 : i32
    %ne3A_84 = arith.xori %lt3A_81, %lt3A_83 : i1
    %and3A_85 = arith.andi %ne3A_84, %ne3A_79 : i1
    %add3A_86 = arith.addi %rem3A_77, %select_n3A_76 : i32
    %select_n3A_87 = arith.select %and3A_85, %add3A_86, %rem3A_77 : i32
    %eq3A_88 = arith.constant 1 : i32
    %eq3A_89 = arith.cmpi eq, %select_n3A_87, %eq3A_88 : i32
    %sub3A_90 = arith.constant 1 : i32
    %sub3A_91 = arith.subi %add3A_4, %sub3A_90 : i32
    %sub3A_92 = arith.constant 2 : i32
    %sub3A_93 = arith.subi %add3A_4, %sub3A_92 : i32
    %select_n3A_94 = arith.select %eq3A_89, %sub3A_91, %sub3A_93 : i32
    %mul3A_95 = arith.constant 128 : i32
    %mul3A_96 = arith.muli %select_n3A_69, %mul3A_95 : i32
    %add3A_97 = arith.addi %mul3A_10, %mul3A_96 : i32
    %dma_wait3A = tpu.memref_slice %arg5[%add3A_97] : memref<320000xf32, #tpu.memory_space<hbm>> -> memref<128xf32, #tpu.memory_space<hbm>>
    %dma_wait3A_98 = tpu.memref_slice %arg5[%add3A_97] : memref<320000xf32, #tpu.memory_space<hbm>> -> memref<128xf32, #tpu.memory_space<hbm>>
    tpu.wait_dma2 semaphore(%arg18 : memref<!tpu.dma_semaphore, #tpu.memory_space<semaphore_mem>>) src(%arg14 : memref<128xf32, #tpu.memory_space<vmem>>) dst(%dma_wait3A_98 : memref<128xf32, #tpu.memory_space<hbm>>)
    %mul3A_99 = arith.constant 128 : i32
    %mul3A_100 = arith.muli %select_n3A_94, %mul3A_99 : i32
    %add3A_101 = arith.addi %mul3A_10, %mul3A_100 : i32
    %dma_wait3A_102 = tpu.memref_slice %arg5[%add3A_101] : memref<320000xf32, #tpu.memory_space<hbm>> -> memref<128xf32, #tpu.memory_space<hbm>>
    %dma_wait3A_103 = tpu.memref_slice %arg5[%add3A_101] : memref<320000xf32, #tpu.memory_space<hbm>> -> memref<128xf32, #tpu.memory_space<hbm>>
    tpu.wait_dma2 semaphore(%arg19 : memref<!tpu.dma_semaphore, #tpu.memory_space<semaphore_mem>>) src(%arg15 : memref<128xf32, #tpu.memory_space<vmem>>) dst(%dma_wait3A_103 : memref<128xf32, #tpu.memory_space<hbm>>)
    return
  }
}

</mosaic_0001>

<sc_bundles>
// kernel: kernel.3.cloned.1.call-start
scs
__scs_entry_jumppad:
0x0: {  	(pc) =	sbr.rel $0x88, $3  }
0x1: {  	(tag) =	ssettag $0x0;
	lr =	simm.s32 $0x1  }
0x2: {  	[smem:$0x3F9F] =	sst lr;
	_ =	strace $0xD0000000  }
0x3: {  	_ = 	snop  }
0x4: {  	_ = 	snop  }
0x5: {  	_ = 	snop  }
0x6: {  	_ = 	snop  }
0x7: {  	_ = 	snop  }
__scs_overlays_trampoline_lowered:
0x8: {  	[smem:$0x3FAE] =	sst s0  }
0x9: {  	[smem:$0x3FAF] =	sst s1  }
0xa: {  	[smem:$0x3FB0] =	sst s2  }
0xb: {  	[smem:$0x3FB1] =	sst s3  }
0xc: {  	[smem:$0x3FB2] =	sst s4  }
0xd: {  	[smem:$0x3FB3] =	sst s5  }
0xe: {  	[smem:$0x3FB4] =	sst s6  }
0xf: {  	[smem:$0x3FB5] =	sst s7  }
0x10: {  	[smem:$0x3FB6] =	sst s8  }
0x11: {  	[smem:$0x3FB7] =	sst s9;
	s0 =	simm.s32 @!p0 $0x0  }
0x12: {  	s1 =	sld [smem:$0x3F9D];
	s0 =	simm.s32 @p0 $0x1  }
0x13: {  	[smem:$0x3FB8] =	sst s0;
	s0 =	simm.s32 @!p1 $0x0  }
0x14: {  	s2 =	sld [smem:$0x3F9C];
	s0 =	simm.s32 @p1 $0x1  }
0x15: {  	[smem:$0x3FB9] =	sst s0;
	s0 =	simm.s32 @!p2 $0x0  }
0x16: {  	s3 =	sld [smem:$0x3FDB];
	s0 =	simm.s32 @p2 $0x1  }
0x17: {  	s4 =	simm.s32 $0x1BF5;
	[smem:$0x3FBB] =	sst s0  }
0x18: {  	s0 =	sld [smem:$0x3F9E];
	_ =	swait.ge [sflag:s4], $0x0  }
0x19: {  	s7 =	sld [smem:$0x3F9F]  }
0x1a: {  	s8 =	sadd.s32 $0xFFFFE003, lr  }
0x1b: {  	s9 =	sadd.s32 $0xFFFFFEF7, lr;
	s5 =	simm.s32 $0xFFFFFFFF;
	p2 =	slt.u32 s8, $0xFFFFF086  }
0x1c: {  	p1 =	slt.u32 s9, $0xF7A;
	s5 =	simm.s32 @!p2 $0x0  }
0x1d: {  	s5 =	simm.s32 @p1 $0x1;
	p0 =	seq.s32 s7, s2  }
0x1e: {  	s7 =	smul.u32 @!p0 $0xF7A, s2;
	p2 =	seq.s32 @!p0 s5, $0x0  }
0x1f: {  	s9 =	smul.u32 $0xF7A, s1;
	s8 =	simm.s32 @!p0 $0x1BF5;
	p2 =	por !p2, p0  }
0x20: {  	[sflag:s8] =	ssyncset.s32 @!p0 $0xFFFFF086;
	s6 =	sadd.s32 @!p0 s3, s7;
	s7 =	simm.s32 @!p0 $0x108  }
0x21: {  	s3 =	sadd.s32 s3, s9;
	s6 =	sadd.s32 @!p0 $0x88, s6;
	s7 =	simm.s32 @p2 $0x1082  }
0x22: {  	[simem:s7], [sflag:s8] =	dma.local @!p0 [hbm:s6], $0xF7A  }
0x23: {  	s9 =	sor.u32 $0xD0000000, s2;
	s6 =	simm.s32 $0x108;
	_ =	swait.ge @!p0 [sflag:s8], $0x0  }
0x24: {  	s3 =	sadd.s32 $0x88, s3;
	s6 =	simm.s32 @!p1 $0x1082;
	[sflag:s4] =	ssyncset.s32 $0xFFFFF086  }
0x25: {  	[simem:s6], [sflag:s4] =	dma.local [hbm:s3], $0xF7A  }
0x26: {  	[smem:$0x3F9F] =	sst s1;
	(tag) =	ssettag s2;
	_ =	strace s9  }
0x27: {  	s1 =	sld [smem:$0x3FAF]  }
0x28: {  	s2 =	sld [smem:$0x3FB0]  }
0x29: {  	s4 =	sld [smem:$0x3FB2]  }
0x2a: {  	p0 =	seq.s32 s5, $0x0;
	s5 =	sld [smem:$0x3FB3]  }
0x2b: {  	s6 =	sld [smem:$0x3FB4]  }
0x2c: {  	s7 =	sld [smem:$0x3FB5]  }
0x2d: {  	s3 =	simm.s32 $0x108;
	s8 =	sld [smem:$0x3FB6]  }
0x2e: {  	s3 =	simm.s32 @!p0 $0x1082;
	s9 =	sld [smem:$0x3FB7]  }
0x2f: {  	lr =	sadd.s32 s0, s3;
	s0 =	sld [smem:$0x3FAE]  }
0x30: {  	s3 =	sld [smem:$0x3FB1]  }
0x31: {  	[smem:$0x3FBA] =	sst s10  }
0x32: {  	s10 =	sld [smem:$0x3FB8];
	_ =	sdelay $0x3  }
0x33: {  	p0 =	seq.s32 s10, $0x1;
	s10 =	sld [smem:$0x3FBA];
	_ =	sdelay $0x3  }
0x34: {  	[smem:$0x3FBA] =	sst s10  }
0x35: {  	s10 =	sld [smem:$0x3FB9];
	_ =	sdelay $0x3  }
0x36: {  	p1 =	seq.s32 s10, $0x1;
	s10 =	sld [smem:$0x3FBA];
	_ =	sdelay $0x3  }
0x37: {  	[smem:$0x3FBA] =	sst s10  }
0x38: {  	s10 =	sld [smem:$0x3FBB]  }
0x39: {  	_ = 	snop;
	(pc) =	sbr.ind lr, $3  }
0x3a: {  	_ = 	snop  }
0x3b: {  	_ = 	snop  }
0x3c: {  	p2 =	seq.s32 s10, $0x1;
	s10 =	sld [smem:$0x3FBA]  }
0x3d: {  	_ =	shalt  }
0x3e: {  	_ =	shalt  }
0x3f: {  	_ =	shalt  }
0x40: {  	_ =	shalt  }
0x41: {  	_ =	shalt  }
0x42: {  	_ =	shalt  }
0x43: {  	_ =	shalt  }
0x44: {  	_ =	shalt  }
0x45: {  	_ =	shalt  }
0x46: {  	_ =	shalt  }
0x47: {  	_ =	shalt  }
0x48: {  	_ =	shalt  }
0x49: {  	_ =	shalt  }
0x4a: {  	_ =	shalt  }
0x4b: {  	_ =	shalt  }
0x4c: {  	_ =	shalt  }
0x4d: {  	_ =	shalt  }
0x4e: {  	_ =	shalt  }
0x4f: {  	_ =	shalt  }
0x50: {  	_ =	shalt  }
0x51: {  	_ =	shalt  }
0x52: {  	_ =	shalt  }
0x53: {  	_ =	shalt  }
0x54: {  	_ =	shalt  }
0x55: {  	_ =	shalt  }
0x56: {  	_ =	shalt  }
0x57: {  	_ =	shalt  }
0x58: {  	_ =	shalt  }
0x59: {  	_ =	shalt  }
0x5a: {  	_ =	shalt  }
0x5b: {  	_ =	shalt  }
0x5c: {  	_ =	shalt  }
0x5d: {  	_ =	shalt  }
0x5e: {  	_ =	shalt  }
0x5f: {  	_ =	shalt  }
0x60: {  	_ =	shalt  }
0x61: {  	_ =	shalt  }
0x62: {  	_ =	shalt  }
0x63: {  	_ =	shalt  }
0x64: {  	_ =	shalt  }
0x65: {  	_ =	shalt  }
0x66: {  	_ =	shalt  }
0x67: {  	_ =	shalt  }
0x68: {  	_ =	shalt  }
0x69: {  	_ =	shalt  }
0x6a: {  	_ =	shalt  }
0x6b: {  	_ =	shalt  }
0x6c: {  	_ =	shalt  }
0x6d: {  	_ =	shalt  }
0x6e: {  	_ =	shalt  }
0x6f: {  	_ =	shalt  }
0x70: {  	_ =	shalt  }
0x71: {  	_ =	shalt  }
0x72: {  	_ =	shalt  }
0x73: {  	_ =	shalt  }
0x74: {  	_ =	shalt  }
0x75: {  	_ =	shalt  }
0x76: {  	_ =	shalt  }
0x77: {  	_ =	shalt  }
0x78: {  	_ =	shalt  }
0x79: {  	_ =	shalt  }
0x7a: {  	_ =	shalt  }
0x7b: {  	_ =	shalt  }
0x7c: {  	_ =	shalt  }
0x7d: {  	_ =	shalt  }
0x7e: {  	_ =	shalt  }
0x7f: {  	_ =	shalt  }
0x80: {  	_ =	shalt  }
0x81: {  	_ =	shalt  }
0x82: {  	_ =	shalt  }
0x83: {  	_ =	shalt  }
0x84: {  	_ =	shalt  }
0x85: {  	_ =	shalt  }
0x86: {  	_ =	shalt  }
0x87: {  	_ =	shalt  }
.Lfunc_end0:
.L_simem_size_0:
called_computation_lowered:
.L_overlay_start_0:
0x88: {  	s2 =	sld [smem:$0x3FD9]  }
0x89: {  	s3 =	sld [smem:$0x3FFE];
	_ =	sdelay $0x1  }
0x8a: {  	s1 =	srdreg.scid  }
0x8b: {  	s0 =	sand.u32 $0x1, s1  }
0x8c: {  	s17 =	sshll.u32 s0, $0xA;
	s2 =	sadd.s32 s3, s2  }
0x8d: {  	s2 =	sadd.s32 s2, s17  }
0x8e: {  	[smem:$0x3FC6] =	sst s2  }
0x8f: {  	_ = 	snop  }
0x90: {  	s2 =	sld [smem:$0x3FD0];
	(tm) =	ssettm $0x1  }
0x91: {  	s18 =	sld [smem:$0x3FFB];
	_ =	sdelay $0x3  }
0x92: {  	_ =	strace s18  }
0x93: {  	s3 =	sld [smem:$0x3FFC];
	_ =	sdelay $0x3  }
0x94: {  	_ =	strace s3  }
0x95: {  	s3 =	sld [smem:$0x3FFD];
	_ =	sdelay $0x3  }
0x96: {  	_ =	strace s3  }
0x97: {  	_ =	strace $0x8FFFFFFF  }
0x98: {  	s19 =	sld [smem:$0x3FDB];
	_ =	sdelay $0x1  }
0x99: {  	s4 =	simm.s32 $_scs_section_size  }
0x9a: {  	s5 =	simm.s32 $_size__tile_overlayer_lowered;
	s6 =	simm.s32 $_tile_overlayer_lowered  }
0x9b: {  	s22 =	simm.s32 $0x1BFF;
	s21 =	sshll.u32 s6, $0x1;
	s3 =	sadd.s32 s4, s19  }
0x9c: {  	s7 =	simm.s32 $0x0;
	s20 =	sshll.u32 s5, $0x1;
	s5 =	sadd.s32 s21, s3  }
0x9d: {  	[timem:s7], [sflag:s22] =	dma.local [hbm:s5], s20  }
0x9e: {  	_ =	swait.ge [sflag:s22], s20  }
0x9f: {  	s4 =	ssub.s32 $0x0, s20;
	[sflag:s22] =	ssyncset.done $0x0  }
0xa0: {  	[sflag:s22] =	ssyncadd.s32 s4;
	_ =	sdelay $0x1  }
0xa1: {  	s23 =	simm.s32 $0x1B8B  }
0xa2: {  	_ =	swait.ge [sflag:s23], $0x1  }
0xa3: {  	[sflag:s23] =	ssyncset.done $0x0  }
0xa4: {  	s25 =	simm.s32 $0x1B8E;
	s24 =	sld [smem:$0x3FFE];
	[sflag:s23] =	ssyncadd.s32 $0xFFFFFFFF  }
0xa5: {  	s26 =	simm.s32 $execute0_lowered;
	[smem:$0x3FD2] =	sst s25  }
0xa6: {  	s5 =	sshll.u32 s26, $0x1;
	_ =	strace $0x80000046;
	[dreg:$0x1] =	wrdreg $0xFFFFFFFF  }
0xa7: {  	s28 =	simm.s32 $_size_execute0_lowered;
	s3 =	sadd.s32 s3, s5;
	[dreg:$0x0] =	wrdreg $0x0  }
0xa8: {  	s5 =	sshll.u32 s28, $0x1;
	[dreg:$0x2] =	wrdreg s3  }
0xa9: {  	[dreg:$0x3] =	wrdreg s5  }
0xaa: {  	[dreg:$0x4] =	wrdreg $0xC0  }
0xab: {  	_ =	task [dreg:s7], $0x5FFFF  }
0xac: {  	[dreg:$0x1] =	wrdreg $0xFFFFFFFF  }
0xad: {  	[dreg:$0x0] =	wrdreg $0x60  }
0xae: {  	[dreg:$0x2] =	wrdreg s24  }
0xaf: {  	[dreg:$0x3] =	wrdreg s2  }
0xb0: {  	[dreg:$0x4] =	wrdreg $0xCF000  }
0xb1: {  	[dreg:$0x5] =	wrdreg $0x9  }
0xb2: {  	_ =	task.clear_ibuf [dreg:s7], $0x6FFFF;
	_ =	strace $0x90000046  }
0xb3: {  	s29 =	simm.s32 $0x9;
	_ =	strace $0x80000048  }
0xb4: {  	_ =	swait.ge [sflag:s29], $0x1  }
0xb5: {  	[sflag:s29] =	ssyncadd.s32 $0xFFFFFFFF  }
0xb6: {  	_ =	strace $0x90000048  }
0xb7: {  	_ =	sfence  }
0xb8: {  	s30 =	sld [smem:$0x0];
	_ =	sdelay $0x2  }
0xb9: {  	s31 =	sshll.u32 s1, $0xD;
	s1 =	sshrl.u32 s1, $0x2  }
0xba: {  	s3 =	sand.u32 $0x4000, s31;
	s1 =	sadd.s32 s1, s30  }
0xbb: {  	s0 =	sor.u32 s3, s0;
	s1 =	sshll.u32 s1, $0x11  }
0xbc: {  	s0 =	sor.u32 s1, s0  }
0xbd: {  	s0 =	sadd.s32 $0x8F2B, s0  }
0xbe: {  	[sflag:s0] =	ssyncadd.remote.s32 $0x1  }
0xbf: {  	_ =	sfence.sel $0xFFFF  }
0xc0: {  	[dreg:$0x0] =	wrdreg $0xFFFFFFFF;
	(pc) =	sbr.abs _section_cstart, $3  }
0xc1: {  	[dreg:$0x1] =	wrdreg $0xFFFFFFFF  }
0xc2: {  	_ =	task.clear_ibuf [dreg:s7], $0x2FFFF;
	_ =	strace $0x9FFFFFFF  }
0xc3: {  	(tm) =	ssettm $0x7FFFFFFF  }
tec
execute0_lowered:
.L_overlay_start_1:
0x0: {  	(tag) =	ssettag $0x1  }
0x1: {  	s9 =	rddreg [dreg:$0x0]  }
0x2: {  	s0 =	srdreg.scid;
	s2 =	rddreg [dreg:$0x1]  }
0x3: {  	s12 =	stileid.u32;
	s3 =	rddreg [dreg:$0x2];
	s6 =	simm.s32 $0x0  }
0x4: {  	s17 =	simm.s32 $0x5;
	s0 =	sand.u32 $0x1, s0;
	s1 =	sshll.u32 s12, $0x1  }
0x5: {  	s28 =	simm.s32 $0x1;
	s29 =	simm.s32 $0x16B40;
	s1 =	sor.u32 s0, s1  }
0x6: {  	s30 =	simm.s32 $0x17340;
	s31 =	simm.s32 $0x2;
	s4 =	smul.u32 $0x4E, s1  }
0x7: {  	s18 =	simm.s32 $0x4;
	[smem:$0x7FF] =	sst s6;
	s1 =	smin.u32 s1, $0x4  }
0x8: {  	p0 =	slt.u32 s12, $0x2;
	s11 =	smul.u32 $0x9C00, s12;
	s4 =	sadd.s32 s1, s4  }
0x9: {  	s0 =	ssub.s32 $0x2, s0;
	_ =	strace $0x80000047;
	s5 =	sshll.u32 s4, $0x7  }
0xa: {  	s8 =	sshrl.u32 s0, $0x1;
	s23 =	sshrl.u32 s11, $0x3;
	s20 =	smin.u32 s5, $0x4BA80  }
0xb: {  	s0 =	ssub.s32 s0, s8;
	s1 =	sadd.s32 s11, s3;
	s8 =	ssub.s32 s5, s20  }
0xc: {  	s16 =	smax.u32 s0, $0x1;
	s7 =	sshrl.u32 s20, $0x3;
	s24 =	sadd.s32 $0x2780, s8  }
0xd: {  	s10 =	sadd.s32 s7, s9;
	s25 =	sadd.s32 $0x80, s8;
	[dreg:$0x8] =	wrdreg s24  }
0xe: {  	s7 =	simm.s32 $0x4F;
	s26 =	sadd.s32 $0x2800, s8;
	[dreg:$0x9] =	wrdreg s25  }
0xf: {  	s7 =	simm.s32 @!p0 $0x4E;
	s21 =	sadd.s32 $0x1D800, s10;
	[dreg:$0xa] =	wrdreg s26  }
0x10: {  	v0 =	vlaneseq.u32;
	s22 =	sadd.s32 $0x13A00, s10;
	s10 =	sadd.s32 s9, s23;
	[dreg:$0x4] =	wrdreg s21  }
.Ltmp0:
0x11: {  	v0 =	vmul.u32 $0x10, v0;
	s9 =	sadd.s32 $0x12480, s9;
	[dreg:$0x5] =	wrdreg s22;
	(pc) =	sbr.rel .LBB2_1-.Ltmp0, $4  }
0x12: {  	p0 =	seq.s32 s12, $0xF;
	s23 =	simm.s32 $0x0;
	[dreg:$0x6] =	wrdreg s10  }
0x13: {  	v1 =	vor.u32 $0x1, v0;
	s10 =	sadd.s32 $0x92400, s3;
	[dreg:$0x7] =	wrdreg s9;
	s0 =	sshll.u32 @!p0 s12, $0x6  }
0x14: {  	v2 =	vor.u32 $0x2, v0;
	v3 =	vor.u32 $0x3, v0;
	v4 =	vor.u32 $0x4, v0;
	s21 =	sshrl.u32 @!p0 s1, $0x3;
	s22 =	simm.s32 $0x80;
	s1 =	simm.s32 $0x173C0  }
0x15: {  	v5 =	vor.u32 $0x5, v0;
	v6 =	vor.u32 $0x6, v0;
	v7 =	vor.u32 $0x7, v0;
	s19 =	sshrl.u32 @p0 s10, $0x3;
	s20 =	sor.u32 @!p0 $0x1C05, s0;
	s0 =	simm.s32 $0x3  }
.LBB2_15:
0x16: {  	s23 =	sadd.s32 $0x1, s23  }
0x17: {  	_ =	swait.ge [sflag:s0], $0x80;
	p1 =	sne.s32 s23, s16  }
.Ltmp1:
0x18: {  	[sflag:s0] =	ssyncset.done $0x0;
	(pc) =	sbr.rel @!p1 .LBB2_16-.Ltmp1, $4  }
0x19: {  	[sflag:s0] =	ssyncadd.s32 $0xFFFFFF80  }
0x1a: {  	_ =	swait.ge [sflag:s18], $0x80  }
0x1b: {  	[sflag:s18] =	ssyncset.done $0x0  }
0x1c: {  	[sflag:s18] =	ssyncadd.s32 $0xFFFFFF80  }
.LBB2_1:
0x1d: {  	s9 =	rddreg [dreg:$0x4]  }
0x1e: {  	[tilespmem:s6], [sflag:$0x5] =	stream.linear.gather [hbm4b:s9+s6], $0x2780, $0x38;
	[tilespmem:$0x17440] =	vst v63  }
0x1f: {  	_ =	swait.ge [sflag:s17], $0x2780  }
0x20: {  	[sflag:s17] =	ssyncset.done $0x0  }
0x21: {  	s10 =	simm.s32 $0x2780;
	s11 =	rddreg [dreg:$0x5];
	[sflag:s17] =	ssyncadd.s32 $0xFFFFD880  }
0x22: {  	[tilespmem:s10], [sflag:$0x5] =	stream.linear.gather [hbm4b:s11+s6], $0x2780, $0x38;
	[tilespmem:$0x17440] =	vst v63  }
0x23: {  	_ =	swait.ge [sflag:s17], $0x2780  }
0x24: {  	[sflag:s17] =	ssyncset.done $0x0  }
0x25: {  	s9 =	simm.s32 @p0 $0x1FC5;
	s10 =	rddreg [dreg:$0x7];
	[sflag:s17] =	ssyncadd.s32 $0xFFFFD880  }
0x26: {  	[spmem:s19], [sflag:s9] =	dma.local @p0 [hbm:s10], $0x1400  }
0x27: {  	s9 =	simm.s32 @p0 $0x5  }
0x28: {  	_ =	swait.ge @p0 [sflag:s9], $0x1400  }
0x29: {  	[sflag:s9] =	ssyncset.done @p0 $0x0  }
0x2a: {  	[sflag:s9] =	ssyncadd.s32 @p0 $0xFFFFEC00;
	s9 =	rddreg [dreg:$0x6]  }
0x2b: {  	[spmem:s21], [sflag:s20] =	dma.local @!p0 [hbm:s9], $0x1380  }
0x2c: {  	s9 =	simm.s32 @!p0 $0x5  }
0x2d: {  	_ =	swait.ge @!p0 [sflag:s9], $0x1380  }
0x2e: {  	[sflag:s9] =	ssyncset.done @!p0 $0x0  }
0x2f: {  	[sflag:s9] =	ssyncadd.s32 @!p0 $0xFFFFEC80  }
0x30: {  	s12 =	simm.s32 $0x4F00;
	[bflag:$0x0] =	sbarrier.arrive $0xFFFF  }
0x31: {  	[tilespmem:s12], [sflag:$0x1] =	stream.indirect.gather [spmem:s3], $0x40, s8, s22, $0xb8;
	[tilespmem:$0x17440] =	vst v63  }
0x32: {  	s14 =	simm.s32 $0x6F00;
	s13 =	rddreg [dreg:$0x8]  }
0x33: {  	[tilespmem:s14], [sflag:$0x1] =	stream.indirect.gather [spmem:s3], $0x40, s13, s22, $0xb8;
	[tilespmem:$0x17440] =	vst v63  }
.Ltmp2:
0x34: {  	_ = 	snop;
	(pc) =	sbr.rel .LBB2_2-.Ltmp2, $4  }
0x35: {  	s24 =	simm.s32 $0x8F00;
	s15 =	rddreg [dreg:$0x9]  }
0x36: {  	[tilespmem:s24], [sflag:$0x2] =	stream.indirect.gather [spmem:s3], $0x40, s15, s22, $0xb8;
	[tilespmem:$0x17440] =	vst v63  }
0x37: {  	s26 =	simm.s32 $0xAF00;
	s25 =	rddreg [dreg:$0xa];
	s24 =	simm.s32 $0x0  }
0x38: {  	[tilespmem:s26], [sflag:$0x2] =	stream.indirect.gather [spmem:s3], $0x40, s25, s22, $0xb8;
	[tilespmem:$0x17440] =	vst v63  }
.LBB2_14:
0x39: {  	s24 =	sadd.s32 $0x1, s24  }
0x3a: {  	p1 =	sne.s32 s24, $0x28  }
.Ltmp3:
0x3b: {  	_ = 	snop;
	(pc) =	sbr.rel @!p1 .LBB2_15-.Ltmp3, $1  }
0x3c: {  	_ =	sdelay $0x3  }
.LBB2_2:
0x3d: {  	s25 =	sshll.u32 s24, $0x1  }
0x3e: {  	p1 =	sge.u32 s25, s7  }
.Ltmp4:
0x3f: {  	_ = 	snop;
	(pc) =	sbr.rel @p1 .LBB2_8-.Ltmp4, $1  }
0x40: {  	_ =	sdelay $0x3  }
0x41: {  	_ =	swait.ge [sflag:s28], $0x2000  }
0x42: {  	[sflag:s28] =	ssyncset.done $0x0  }
0x43: {  	[sflag:s28] =	ssyncadd.s32 $0xFFFFE000  }
0x44: {  	_ =	swait.ge [sflag:s28], $0x2000  }
0x45: {  	p1 =	seq.s32 s24, $0x0;
	[sflag:s28] =	ssyncset.done $0x0  }
0x46: {  	s9 =	simm.s32 @!p1 $0x3;
	[sflag:s28] =	ssyncadd.s32 $0xFFFFE000  }
0x47: {  	_ =	swait.ge @!p1 [sflag:s9], $0x80  }
0x48: {  	s10 =	simm.s32 $0x16B80;
	[sflag:s9] =	ssyncset.done @!p1 $0x0  }
0x49: {  	s11 =	simm.s32 $0x0;
	[sflag:s9] =	ssyncadd.s32 @!p1 $0xFFFFFF80;
	s9 =	simm.s32 $0x0  }
.LBB2_4:
0x4a: {  	s12 =	sshra.s32 s11, $0x2  }
0x4b: {  	v8 =	vld [tilespmem:s12+$0x4F00]  }
0x4c: {  	v9 =	vld [tilespmem:s12+$0x6F00]  }
0x4d: {  	v10 =	vld [tilespmem:s12+$0x4F10]  }
0x4e: {  	v11 =	vld [tilespmem:s12+$0x6F10]  }
0x4f: {  	v12 =	vld [tilespmem:s12+$0x4F20]  }
0x50: {  	v13 =	vld [tilespmem:s12+$0x6F20]  }
0x51: {  	v14 =	vld [tilespmem:s12+$0x4F30]  }
0x52: {  	v15 =	vld [tilespmem:s12+$0x6F30]  }
0x53: {  	v8 =	vmul.bf16 v9, v8;
	v37 =	vmul.bf16 v11, v10;
	_ =	sdelay $0x1  }
0x54: {  	v38 =	vmul.bf16 v13, v12;
	v8 =	vadd.bf16 v37, v8;
	_ =	sdelay $0x1  }
0x55: {  	v39 =	vmul.bf16 v15, v14;
	v8 =	vadd.bf16 v38, v8;
	_ =	sdelay $0x1  }
0x56: {  	v8 =	vadd.bf16 v39, v8;
	_ =	sdelay $0x1  }
0x57: {  	v9 =	vunpack.i.u.bf16.f32 v8;
	v8 =	vunpack.i.l.bf16.f32 v8  }
0x58: {  	v8 =	vadd.f32 v8, v9;
	_ =	sdelay $0x1  }
0x59: {  	[tilespmem:s10+$0xFFFFFFC0] =	vst v8  }
0x5a: {  	v8 =	vld [tilespmem:s12+$0x4F40]  }
0x5b: {  	v40 =	vld [tilespmem:s12+$0x6F40]  }
0x5c: {  	v41 =	vld [tilespmem:s12+$0x4F50]  }
0x5d: {  	v42 =	vld [tilespmem:s12+$0x6F50]  }
0x5e: {  	v43 =	vld [tilespmem:s12+$0x4F60]  }
0x5f: {  	v44 =	vld [tilespmem:s12+$0x6F60]  }
0x60: {  	v45 =	vld [tilespmem:s12+$0x4F70]  }
0x61: {  	v46 =	vld [tilespmem:s12+$0x6F70]  }
0x62: {  	v8 =	vmul.bf16 v40, v8;
	v47 =	vmul.bf16 v42, v41;
	_ =	sdelay $0x1  }
0x63: {  	v48 =	vmul.bf16 v44, v43;
	v8 =	vadd.bf16 v47, v8;
	_ =	sdelay $0x1  }
0x64: {  	v49 =	vmul.bf16 v46, v45;
	v8 =	vadd.bf16 v48, v8;
	_ =	sdelay $0x1  }
0x65: {  	v8 =	vadd.bf16 v49, v8;
	_ =	sdelay $0x1  }
0x66: {  	v9 =	vunpack.i.u.bf16.f32 v8;
	v8 =	vunpack.i.l.bf16.f32 v8  }
0x67: {  	v8 =	vadd.f32 v8, v9;
	_ =	sdelay $0x1  }
0x68: {  	[tilespmem:s10+$0xFFFFFFD0] =	vst v8  }
0x69: {  	v8 =	vld [tilespmem:s12+$0x4F80]  }
0x6a: {  	v50 =	vld [tilespmem:s12+$0x6F80]  }
0x6b: {  	v51 =	vld [tilespmem:s12+$0x4F90]  }
0x6c: {  	v52 =	vld [tilespmem:s12+$0x6F90]  }
0x6d: {  	v53 =	vld [tilespmem:s12+$0x4FA0]  }
0x6e: {  	v54 =	vld [tilespmem:s12+$0x6FA0]  }
0x6f: {  	v55 =	vld [tilespmem:s12+$0x4FB0]  }
0x70: {  	v56 =	vld [tilespmem:s12+$0x6FB0]  }
0x71: {  	v8 =	vmul.bf16 v50, v8;
	v57 =	vmul.bf16 v52, v51;
	_ =	sdelay $0x1  }
0x72: {  	v58 =	vmul.bf16 v54, v53;
	v8 =	vadd.bf16 v57, v8;
	_ =	sdelay $0x1  }
0x73: {  	v59 =	vmul.bf16 v56, v55;
	v8 =	vadd.bf16 v58, v8;
	_ =	sdelay $0x1  }
0x74: {  	v8 =	vadd.bf16 v59, v8;
	_ =	sdelay $0x1  }
0x75: {  	v9 =	vunpack.i.u.bf16.f32 v8;
	v8 =	vunpack.i.l.bf16.f32 v8  }
0x76: {  	v8 =	vadd.f32 v8, v9;
	_ =	sdelay $0x1  }
0x77: {  	[tilespmem:s10+$0xFFFFFFE0] =	vst v8  }
0x78: {  	v8 =	vld [tilespmem:s12+$0x4FC0]  }
0x79: {  	v60 =	vld [tilespmem:s12+$0x6FC0]  }
0x7a: {  	v61 =	vld [tilespmem:s12+$0x4FD0]  }
0x7b: {  	v62 =	vld [tilespmem:s12+$0x6FD0]  }
0x7c: {  	v63 =	vld [tilespmem:s12+$0x4FE0]  }
0x7d: {  	v18 =	vld [tilespmem:s12+$0x6FE0]  }
0x7e: {  	v19 =	vld [tilespmem:s12+$0x4FF0]  }
0x7f: {  	v20 =	vld [tilespmem:s12+$0x6FF0]  }
0x80: {  	v8 =	vmul.bf16 v60, v8;
	v21 =	vmul.bf16 v62, v61;
	_ =	sdelay $0x1  }
0x81: {  	v22 =	vmul.bf16 v18, v63;
	v8 =	vadd.bf16 v21, v8;
	_ =	sdelay $0x1  }
0x82: {  	v23 =	vmul.bf16 v20, v19;
	v8 =	vadd.bf16 v22, v8;
	_ =	sdelay $0x1  }
0x83: {  	v8 =	vadd.bf16 v23, v8;
	_ =	sdelay $0x1  }
0x84: {  	v9 =	vunpack.i.u.bf16.f32 v8;
	v8 =	vunpack.i.l.bf16.f32 v8  }
0x85: {  	v8 =	vadd.f32 v8, v9;
	_ =	sdelay $0x1  }
0x86: {  	[tilespmem:s10+$0xFFFFFFF0] =	vst v8  }
0x87: {  	v8 =	vld [tilespmem:s12+$0x5000]  }
0x88: {  	v24 =	vld [tilespmem:s12+$0x7000]  }
0x89: {  	v25 =	vld [tilespmem:s12+$0x5010]  }
0x8a: {  	v26 =	vld [tilespmem:s12+$0x7010]  }
0x8b: {  	v27 =	vld [tilespmem:s12+$0x5020]  }
0x8c: {  	v28 =	vld [tilespmem:s12+$0x7020]  }
0x8d: {  	v29 =	vld [tilespmem:s12+$0x5030]  }
0x8e: {  	v30 =	vld [tilespmem:s12+$0x7030]  }
0x8f: {  	v8 =	vmul.bf16 v24, v8;
	v31 =	vmul.bf16 v26, v25;
	_ =	sdelay $0x1  }
0x90: {  	v32 =	vmul.bf16 v28, v27;
	v8 =	vadd.bf16 v31, v8;
	_ =	sdelay $0x1  }
0x91: {  	v33 =	vmul.bf16 v30, v29;
	v8 =	vadd.bf16 v32, v8;
	_ =	sdelay $0x1  }
0x92: {  	v8 =	vadd.bf16 v33, v8;
	_ =	sdelay $0x1  }
0x93: {  	v9 =	vunpack.i.u.bf16.f32 v8;
	v8 =	vunpack.i.l.bf16.f32 v8  }
0x94: {  	v8 =	vadd.f32 v8, v9;
	_ =	sdelay $0x1  }
0x95: {  	[tilespmem:s10+$0x0] =	vst v8  }
0x96: {  	v8 =	vld [tilespmem:s12+$0x5040]  }
0x97: {  	v34 =	vld [tilespmem:s12+$0x7040]  }
0x98: {  	v35 =	vld [tilespmem:s12+$0x5050]  }
0x99: {  	v36 =	vld [tilespmem:s12+$0x7050]  }
0x9a: {  	v37 =	vld [tilespmem:s12+$0x5060]  }
0x9b: {  	v38 =	vld [tilespmem:s12+$0x7060]  }
0x9c: {  	v39 =	vld [tilespmem:s12+$0x5070]  }
0x9d: {  	v40 =	vld [tilespmem:s12+$0x7070]  }
0x9e: {  	v8 =	vmul.bf16 v34, v8;
	v41 =	vmul.bf16 v36, v35;
	_ =	sdelay $0x1  }
0x9f: {  	v42 =	vmul.bf16 v38, v37;
	v8 =	vadd.bf16 v41, v8;
	_ =	sdelay $0x1  }
0xa0: {  	v43 =	vmul.bf16 v40, v39;
	v8 =	vadd.bf16 v42, v8;
	_ =	sdelay $0x1  }
0xa1: {  	v8 =	vadd.bf16 v43, v8;
	_ =	sdelay $0x1  }
0xa2: {  	v9 =	vunpack.i.u.bf16.f32 v8;
	v8 =	vunpack.i.l.bf16.f32 v8  }
0xa3: {  	v8 =	vadd.f32 v8, v9;
	_ =	sdelay $0x1  }
0xa4: {  	[tilespmem:s10+$0x10] =	vst v8  }
0xa5: {  	v8 =	vld [tilespmem:s12+$0x5080]  }
0xa6: {  	v44 =	vld [tilespmem:s12+$0x7080]  }
0xa7: {  	v45 =	vld [tilespmem:s12+$0x5090]  }
0xa8: {  	v46 =	vld [tilespmem:s12+$0x7090]  }
0xa9: {  	v47 =	vld [tilespmem:s12+$0x50A0]  }
0xaa: {  	v48 =	vld [tilespmem:s12+$0x70A0]  }
0xab: {  	v49 =	vld [tilespmem:s12+$0x50B0]  }
0xac: {  	v50 =	vld [tilespmem:s12+$0x70B0]  }
0xad: {  	v8 =	vmul.bf16 v44, v8;
	v51 =	vmul.bf16 v46, v45;
	_ =	sdelay $0x1  }
0xae: {  	v52 =	vmul.bf16 v48, v47;
	v8 =	vadd.bf16 v51, v8;
	_ =	sdelay $0x1  }
0xaf: {  	v53 =	vmul.bf16 v50, v49;
	v8 =	vadd.bf16 v52, v8;
	_ =	sdelay $0x1  }
0xb0: {  	v8 =	vadd.bf16 v53, v8;
	_ =	sdelay $0x1  }
0xb1: {  	v9 =	vunpack.i.u.bf16.f32 v8;
	v8 =	vunpack.i.l.bf16.f32 v8  }
0xb2: {  	v8 =	vadd.f32 v8, v9;
	_ =	sdelay $0x1  }
0xb3: {  	[tilespmem:s10+$0x20] =	vst v8  }
0xb4: {  	v8 =	vld [tilespmem:s12+$0x50C0]  }
0xb5: {  	v54 =	vld [tilespmem:s12+$0x70C0]  }
0xb6: {  	v55 =	vld [tilespmem:s12+$0x50D0]  }
0xb7: {  	v56 =	vld [tilespmem:s12+$0x70D0]  }
0xb8: {  	v57 =	vld [tilespmem:s12+$0x50E0]  }
0xb9: {  	v58 =	vld [tilespmem:s12+$0x70E0]  }
0xba: {  	v59 =	vld [tilespmem:s12+$0x50F0]  }
0xbb: {  	v60 =	vld [tilespmem:s12+$0x70F0]  }
0xbc: {  	v8 =	vmul.bf16 v54, v8;
	v61 =	vmul.bf16 v56, v55;
	_ =	sdelay $0x1  }
0xbd: {  	v62 =	vmul.bf16 v58, v57;
	v8 =	vadd.bf16 v61, v8;
	_ =	sdelay $0x1  }
0xbe: {  	v63 =	vmul.bf16 v60, v59;
	v8 =	vadd.bf16 v62, v8;
	_ =	sdelay $0x1  }
0xbf: {  	p1 =	sne.s32 s11, $0x7800;
	v8 =	vadd.bf16 v63, v8  }
.Ltmp5:
0xc0: {  	_ = 	snop;
	(pc) =	sbr.rel @p1 .LBB2_4-.Ltmp5, $3  }
0xc1: {  	v9 =	vunpack.i.u.bf16.f32 v8;
	v8 =	vunpack.i.l.bf16.f32 v8  }
0xc2: {  	v8 =	vadd.f32 v8, v9;
	_ =	sdelay $0x1  }
0xc3: {  	s11 =	sadd.s32 $0x800, s11;
	[tilespmem:s10+$0x30] =	vst v8;
	s10 =	sadd.s32 $0x80, s10  }
0xc4: {  	v8 =	vor.u32 s9, v0  }
0xc5: {  	v9 =	vor.u32 s9, v1;
	_ =	sdelay $0x1  }
0xc6: {  	v10 =	vor.u32 s9, v2;
	_ =	sdelay $0x1  }
0xc7: {  	v11 =	vor.u32 s9, v3;
	v8 =	vld.idx.msk [tilespmem:v8+s29+$0x0], $0xffff  }
0xc8: {  	v9 =	vld.idx.msk [tilespmem:v9+s29+$0x0], $0xffff  }
0xc9: {  	v12 =	vor.u32 s9, v4  }
0xca: {  	v10 =	vld.idx.msk [tilespmem:v10+s29+$0x0], $0xffff  }
0xcb: {  	v13 =	vor.u32 s9, v5  }
0xcc: {  	v11 =	vld.idx.msk [tilespmem:v11+s29+$0x0], $0xffff  }
0xcd: {  	v14 =	vor.u32 s9, v6;
	v8 =	vadd.f32 v9, v8  }
0xce: {  	v9 =	vld.idx.msk [tilespmem:v12+s29+$0x0], $0xffff  }
0xcf: {  	v12 =	vor.u32 s9, v7;
	v8 =	vadd.f32 v10, v8  }
0xd0: {  	s12 =	simm.s32 $0x8;
	v10 =	vld.idx.msk [tilespmem:v13+s29+$0x0], $0xffff  }
0xd1: {  	v13 =	vor.u32 s12, v0;
	v8 =	vadd.f32 v11, v8  }
0xd2: {  	s13 =	simm.s32 $0x9;
	v11 =	vld.idx.msk [tilespmem:v14+s29+$0x0], $0xffff  }
0xd3: {  	v14 =	vor.u32 s13, v1;
	v8 =	vadd.f32 v9, v8  }
0xd4: {  	s14 =	simm.s32 $0xA;
	v9 =	vld.idx.msk [tilespmem:v12+s29+$0x0], $0xffff  }
0xd5: {  	v12 =	vor.u32 s14, v2;
	v8 =	vadd.f32 v10, v8  }
0xd6: {  	s15 =	simm.s32 $0xB;
	v10 =	vld.idx.msk [tilespmem:v13+s29+$0x0], $0xffff  }
0xd7: {  	v13 =	vor.u32 s15, v3;
	v8 =	vadd.f32 v11, v8  }
0xd8: {  	s26 =	simm.s32 $0xC;
	v11 =	vld.idx.msk [tilespmem:v14+s29+$0x0], $0xffff  }
0xd9: {  	v14 =	vor.u32 s26, v4;
	v8 =	vadd.f32 v9, v8  }
0xda: {  	s10 =	simm.s32 $0xD;
	v9 =	vld.idx.msk [tilespmem:v12+s29+$0x0], $0xffff  }
0xdb: {  	v12 =	vor.u32 s10, v5;
	v8 =	vadd.f32 v10, v8  }
0xdc: {  	s11 =	simm.s32 $0xE;
	v10 =	vld.idx.msk [tilespmem:v13+s29+$0x0], $0xffff  }
0xdd: {  	v13 =	vor.u32 s11, v6;
	v8 =	vadd.f32 v11, v8  }
0xde: {  	s12 =	simm.s32 $0xF;
	v11 =	vld.idx.msk [tilespmem:v14+s29+$0x0], $0xffff  }
0xdf: {  	v14 =	vor.u32 s12, v7;
	v8 =	vadd.f32 v9, v8  }
0xe0: {  	v9 =	vld.idx.msk [tilespmem:v12+s29+$0x0], $0xffff  }
0xe1: {  	v8 =	vadd.f32 v10, v8  }
0xe2: {  	v10 =	vld.idx.msk [tilespmem:v13+s29+$0x0], $0xffff  }
0xe3: {  	v8 =	vadd.f32 v11, v8  }
0xe4: {  	v11 =	vld.idx.msk [tilespmem:v14+s29+$0x0], $0xffff  }
0xe5: {  	v8 =	vadd.f32 v9, v8  }
0xe6: {  	s13 =	simm.s32 $0x100  }
0xe7: {  	v9 =	vor.u32 s13, v1;
	v8 =	vadd.f32 v10, v8  }
0xe8: {  	v10 =	vor.u32 s13, v0  }
0xe9: {  	v8 =	vadd.f32 v11, v8  }
0xea: {  	s26 =	simm.s32 $0x17350;
	v11 =	vor.u32 s13, v2  }
0xeb: {  	[tilespmem:s26+$0xFFFFFFF0] =	vst v8  }
0xec: {  	v8 =	vor.u32 s13, v3;
	v9 =	vld.idx.msk [tilespmem:v9+s29+$0x0], $0xffff  }
0xed: {  	v10 =	vld.idx.msk [tilespmem:v10+s29+$0x0], $0xffff  }
0xee: {  	v12 =	vor.u32 s13, v4  }
0xef: {  	v11 =	vld.idx.msk [tilespmem:v11+s29+$0x0], $0xffff  }
0xf0: {  	v13 =	vor.u32 s13, v5  }
0xf1: {  	v8 =	vld.idx.msk [tilespmem:v8+s29+$0x0], $0xffff  }
0xf2: {  	v14 =	vor.u32 s13, v6;
	v9 =	vadd.f32 v9, v10  }
0xf3: {  	v10 =	vld.idx.msk [tilespmem:v12+s29+$0x0], $0xffff  }
0xf4: {  	v12 =	vor.u32 s13, v7;
	v9 =	vadd.f32 v11, v9  }
0xf5: {  	s14 =	simm.s32 $0x108;
	v11 =	vld.idx.msk [tilespmem:v13+s29+$0x0], $0xffff  }
0xf6: {  	v13 =	vor.u32 s14, v0;
	v8 =	vadd.f32 v8, v9  }
0xf7: {  	s15 =	simm.s32 $0x109;
	v9 =	vld.idx.msk [tilespmem:v14+s29+$0x0], $0xffff  }
0xf8: {  	v14 =	vor.u32 s15, v1;
	v8 =	vadd.f32 v10, v8  }
0xf9: {  	s10 =	simm.s32 $0x10A;
	v10 =	vld.idx.msk [tilespmem:v12+s29+$0x0], $0xffff  }
0xfa: {  	v12 =	vor.u32 s10, v2;
	v8 =	vadd.f32 v11, v8  }
0xfb: {  	s11 =	simm.s32 $0x10B;
	v11 =	vld.idx.msk [tilespmem:v13+s29+$0x0], $0xffff  }
0xfc: {  	v13 =	vor.u32 s11, v3;
	v8 =	vadd.f32 v9, v8  }
0xfd: {  	s12 =	simm.s32 $0x10C;
	v9 =	vld.idx.msk [tilespmem:v14+s29+$0x0], $0xffff  }
0xfe: {  	v14 =	vor.u32 s12, v4;
	v8 =	vadd.f32 v10, v8  }
0xff: {  	s13 =	simm.s32 $0x10D;
	v10 =	vld.idx.msk [tilespmem:v12+s29+$0x0], $0xffff  }
0x100: {  	v12 =	vor.u32 s13, v5;
	v8 =	vadd.f32 v11, v8  }
0x101: {  	s14 =	simm.s32 $0x10E;
	v11 =	vld.idx.msk [tilespmem:v13+s29+$0x0], $0xffff  }
0x102: {  	v13 =	vor.u32 s14, v6;
	v8 =	vadd.f32 v9, v8  }
0x103: {  	s15 =	simm.s32 $0x10F;
	v9 =	vld.idx.msk [tilespmem:v14+s29+$0x0], $0xffff  }
0x104: {  	v14 =	vor.u32 s15, v7;
	v8 =	vadd.f32 v10, v8  }
0x105: {  	v10 =	vld.idx.msk [tilespmem:v12+s29+$0x0], $0xffff  }
0x106: {  	v8 =	vadd.f32 v11, v8  }
0x107: {  	v11 =	vld.idx.msk [tilespmem:v13+s29+$0x0], $0xffff  }
0x108: {  	v8 =	vadd.f32 v9, v8  }
0x109: {  	v12 =	vld.idx.msk [tilespmem:v14+s29+$0x0], $0xffff  }
0x10a: {  	v8 =	vadd.f32 v10, v8;
	_ =	sdelay $0x1  }
0x10b: {  	s9 =	simm.s32 $0x200;
	s11 =	simm.s32 $0x20F;
	v13 =	vadd.f32 v11, v8  }
0x10c: {  	v9 =	vor.u32 s11, v7;
	v10 =	vor.u32 s9, v0  }
0x10d: {  	s10 =	simm.s32 $0x400;
	s11 =	simm.s32 $0x17350;
	v8 =	vor.u32 s9, v2;
	v11 =	vor.u32 s9, v1;
	v12 =	vadd.f32 v12, v13  }
.LBB2_6:
0x10e: {  	p1 =	sne.s32 s10, $0x600  }
0x10f: {  	v13 =	vor.u32 s10, v2;
	s26 =	sadd.s32 $0x20, s26;
	s12 =	smov.u32 s10;
	s10 =	sadd.s32 $0x200, s10  }
0x110: {  	[tilespmem:s11+$0x0] =	vst v12;
	s11 =	smov.u32 s26  }
0x111: {  	v12 =	vor.u32 s9, v3;
	v10 =	vld.idx.msk [tilespmem:v10+s29+$0x0], $0xffff  }
0x112: {  	v11 =	vld.idx.msk [tilespmem:v11+s29+$0x0], $0xffff  }
0x113: {  	v14 =	vor.u32 s9, v4;
	v9 =	vld.idx.msk [tilespmem:v9+s29+$0x0], $0xffff  }
0x114: {  	v15 =	vld.idx.msk [tilespmem:v8+s29+$0x0], $0xffff;
	v8 =	vmov v13  }
0x115: {  	v13 =	vor.u32 s9, v5  }
0x116: {  	v12 =	vld.idx.msk [tilespmem:v12+s29+$0x0], $0xffff  }
0x117: {  	v16 =	vor.u32 s9, v6  }
0x118: {  	v10 =	vadd.f32 v11, v10;
	v11 =	vld.idx.msk [tilespmem:v14+s29+$0x0], $0xffff  }
0x119: {  	v14 =	vor.u32 s9, v7  }
0x11a: {  	s13 =	sadd.s32 $0x8, s9;
	v10 =	vadd.f32 v15, v10;
	v13 =	vld.idx.msk [tilespmem:v13+s29+$0x0], $0xffff  }
0x11b: {  	v15 =	vor.u32 s13, v0  }
0x11c: {  	s13 =	sadd.s32 $0x9, s9;
	v10 =	vadd.f32 v12, v10;
	v12 =	vld.idx.msk [tilespmem:v16+s29+$0x0], $0xffff  }
0x11d: {  	v16 =	vor.u32 s13, v1  }
0x11e: {  	s13 =	sadd.s32 $0xA, s9;
	v10 =	vadd.f32 v11, v10;
	v11 =	vld.idx.msk [tilespmem:v14+s29+$0x0], $0xffff  }
0x11f: {  	v14 =	vor.u32 s13, v2  }
0x120: {  	s13 =	sadd.s32 $0xB, s9;
	v10 =	vadd.f32 v13, v10;
	v13 =	vld.idx.msk [tilespmem:v15+s29+$0x0], $0xffff  }
0x121: {  	v15 =	vor.u32 s13, v3  }
0x122: {  	s13 =	sadd.s32 $0xC, s9;
	v10 =	vadd.f32 v12, v10;
	v12 =	vld.idx.msk [tilespmem:v16+s29+$0x0], $0xffff  }
0x123: {  	v16 =	vor.u32 s13, v4  }
0x124: {  	s13 =	sadd.s32 $0xD, s9;
	v10 =	vadd.f32 v11, v10;
	v11 =	vld.idx.msk [tilespmem:v14+s29+$0x0], $0xffff  }
0x125: {  	v14 =	vor.u32 s13, v5  }
0x126: {  	s13 =	sadd.s32 $0xE, s9;
	v10 =	vadd.f32 v13, v10;
	v13 =	vld.idx.msk [tilespmem:v15+s29+$0x0], $0xffff  }
0x127: {  	v15 =	vor.u32 s13, v6  }
0x128: {  	v10 =	vadd.f32 v12, v10;
	v12 =	vld.idx.msk [tilespmem:v16+s29+$0x0], $0xffff;
	_ =	sdelay $0x1  }
0x129: {  	v10 =	vadd.f32 v11, v10;
	v11 =	vld.idx.msk [tilespmem:v14+s29+$0x0], $0xffff;
	_ =	sdelay $0x1  }
0x12a: {  	v10 =	vadd.f32 v13, v10;
	v13 =	vld.idx.msk [tilespmem:v15+s29+$0x0], $0xffff;
	_ =	sdelay $0x1  }
0x12b: {  	v10 =	vadd.f32 v12, v10;
	_ =	sdelay $0x1  }
0x12c: {  	v10 =	vadd.f32 v11, v10  }
0x12d: {  	s13 =	sadd.s32 $0x100, s9  }
0x12e: {  	v12 =	vor.u32 s13, v1;
	v11 =	vor.u32 s13, v0;
	v10 =	vadd.f32 v13, v10;
	_ =	sdelay $0x1  }
0x12f: {  	s14 =	sadd.s32 $0x10F, s9;
	v9 =	vadd.f32 v9, v10;
	v10 =	vor.u32 s13, v2  }
0x130: {  	v13 =	vor.u32 s14, v7  }
0x131: {  	[tilespmem:s26+$0xFFFFFFF0] =	vst v9;
	v9 =	vor.u32 s13, v3  }
0x132: {  	v12 =	vld.idx.msk [tilespmem:v12+s29+$0x0], $0xffff  }
0x133: {  	v14 =	vor.u32 s13, v4;
	v11 =	vld.idx.msk [tilespmem:v11+s29+$0x0], $0xffff  }
0x134: {  	v10 =	vld.idx.msk [tilespmem:v10+s29+$0x0], $0xffff  }
0x135: {  	v15 =	vor.u32 s13, v5;
	v13 =	vld.idx.msk [tilespmem:v13+s29+$0x0], $0xffff  }
0x136: {  	v9 =	vld.idx.msk [tilespmem:v9+s29+$0x0], $0xffff  }
0x137: {  	v16 =	vor.u32 s13, v6  }
0x138: {  	v14 =	vld.idx.msk [tilespmem:v14+s29+$0x0], $0xffff  }
0x139: {  	v11 =	vadd.f32 v12, v11;
	v12 =	vor.u32 s13, v7  }
0x13a: {  	s13 =	sadd.s32 $0x108, s9;
	v15 =	vld.idx.msk [tilespmem:v15+s29+$0x0], $0xffff  }
0x13b: {  	v10 =	vadd.f32 v10, v11;
	v11 =	vor.u32 s13, v0  }
0x13c: {  	s13 =	sadd.s32 $0x109, s9;
	v16 =	vld.idx.msk [tilespmem:v16+s29+$0x0], $0xffff  }
0x13d: {  	v9 =	vadd.f32 v9, v10;
	v10 =	vor.u32 s13, v1  }
0x13e: {  	s13 =	sadd.s32 $0x10A, s9;
	v12 =	vld.idx.msk [tilespmem:v12+s29+$0x0], $0xffff  }
0x13f: {  	v9 =	vadd.f32 v14, v9;
	v14 =	vor.u32 s13, v2  }
0x140: {  	s13 =	sadd.s32 $0x10B, s9;
	v11 =	vld.idx.msk [tilespmem:v11+s29+$0x0], $0xffff  }
0x141: {  	v9 =	vadd.f32 v15, v9;
	v15 =	vor.u32 s13, v3  }
0x142: {  	s13 =	sadd.s32 $0x10C, s9;
	v10 =	vld.idx.msk [tilespmem:v10+s29+$0x0], $0xffff  }
0x143: {  	v9 =	vadd.f32 v16, v9;
	v16 =	vor.u32 s13, v4  }
0x144: {  	s13 =	sadd.s32 $0x10D, s9;
	v14 =	vld.idx.msk [tilespmem:v14+s29+$0x0], $0xffff  }
0x145: {  	v9 =	vadd.f32 v12, v9;
	v12 =	vor.u32 s13, v5  }
0x146: {  	s13 =	sadd.s32 $0x10E, s9;
	s9 =	smov.u32 s12;
	v15 =	vld.idx.msk [tilespmem:v15+s29+$0x0], $0xffff  }
0x147: {  	v9 =	vadd.f32 v11, v9;
	v11 =	vor.u32 s13, v6  }
0x148: {  	v16 =	vld.idx.msk [tilespmem:v16+s29+$0x0], $0xffff  }
0x149: {  	v9 =	vadd.f32 v10, v9  }
0x14a: {  	v10 =	vld.idx.msk [tilespmem:v12+s29+$0x0], $0xffff  }
0x14b: {  	v9 =	vadd.f32 v14, v9  }
0x14c: {  	v11 =	vld.idx.msk [tilespmem:v11+s29+$0x0], $0xffff  }
0x14d: {  	v9 =	vadd.f32 v15, v9;
	_ =	sdelay $0x1  }
0x14e: {  	v9 =	vadd.f32 v16, v9;
	_ =	sdelay $0x1  }
.Ltmp6:
0x14f: {  	v9 =	vadd.f32 v10, v9;
	(pc) =	sbr.rel @p1 .LBB2_6-.Ltmp6, $4  }
0x150: {  	v10 =	vor.u32 s9, v0  }
0x151: {  	v12 =	vadd.f32 v11, v9  }
0x152: {  	s12 =	sadd.s32 $0xF, s9;
	v11 =	vor.u32 s9, v1  }
0x153: {  	v9 =	vor.u32 s12, v7;
	v12 =	vadd.f32 v13, v12  }
0x154: {  	_ =	sdelay $0x2  }
0x155: {  	[tilespmem:s11+$0x0] =	vst v12  }
0x156: {  	v17 =	vor.u32 s9, v3;
	v10 =	vld.idx.msk [tilespmem:v10+s29+$0x0], $0xffff  }
0x157: {  	v11 =	vld.idx.msk [tilespmem:v11+s29+$0x0], $0xffff  }
0x158: {  	v13 =	vor.u32 s9, v4  }
0x159: {  	v8 =	vld.idx.msk [tilespmem:v8+s29+$0x0], $0xffff  }
0x15a: {  	v14 =	vor.u32 s9, v5  }
0x15b: {  	v12 =	vld.idx.msk [tilespmem:v17+s29+$0x0], $0xffff  }
0x15c: {  	v15 =	vor.u32 s9, v6;
	v10 =	vadd.f32 v11, v10  }
0x15d: {  	v18 =	vld.idx.msk [tilespmem:v13+s29+$0x0], $0xffff  }
0x15e: {  	v19 =	vor.u32 s9, v7;
	v8 =	vadd.f32 v8, v10  }
0x15f: {  	s10 =	sadd.s32 $0x8, s9;
	v20 =	vld.idx.msk [tilespmem:v14+s29+$0x0], $0xffff  }
0x160: {  	v21 =	vor.u32 s10, v0;
	v8 =	vadd.f32 v12, v8  }
0x161: {  	s11 =	sadd.s32 $0x9, s9;
	v22 =	vld.idx.msk [tilespmem:v15+s29+$0x0], $0xffff  }
0x162: {  	v23 =	vor.u32 s11, v1;
	v8 =	vadd.f32 v18, v8  }
0x163: {  	s12 =	sadd.s32 $0xA, s9;
	v24 =	vld.idx.msk [tilespmem:v19+s29+$0x0], $0xffff  }
0x164: {  	v25 =	vor.u32 s12, v2;
	v8 =	vadd.f32 v20, v8  }
0x165: {  	s13 =	sadd.s32 $0xB, s9;
	v26 =	vld.idx.msk [tilespmem:v21+s29+$0x0], $0xffff  }
0x166: {  	v27 =	vor.u32 s13, v3;
	v8 =	vadd.f32 v22, v8  }
0x167: {  	s14 =	sadd.s32 $0xC, s9;
	v28 =	vld.idx.msk [tilespmem:v23+s29+$0x0], $0xffff  }
0x168: {  	v29 =	vor.u32 s14, v4;
	v8 =	vadd.f32 v24, v8  }
0x169: {  	s15 =	sadd.s32 $0xD, s9;
	v30 =	vld.idx.msk [tilespmem:v25+s29+$0x0], $0xffff  }
0x16a: {  	v31 =	vor.u32 s15, v5;
	v8 =	vadd.f32 v26, v8  }
0x16b: {  	s11 =	sadd.s32 $0xE, s9;
	v32 =	vld.idx.msk [tilespmem:v27+s29+$0x0], $0xffff  }
0x16c: {  	v33 =	vor.u32 s11, v6;
	v8 =	vadd.f32 v28, v8  }
0x16d: {  	v34 =	vld.idx.msk [tilespmem:v29+s29+$0x0], $0xffff  }
0x16e: {  	v8 =	vadd.f32 v30, v8  }
0x16f: {  	v35 =	vld.idx.msk [tilespmem:v31+s29+$0x0], $0xffff  }
0x170: {  	v8 =	vadd.f32 v32, v8  }
0x171: {  	v36 =	vld.idx.msk [tilespmem:v33+s29+$0x0], $0xffff  }
0x172: {  	v8 =	vadd.f32 v34, v8  }
0x173: {  	v9 =	vld.idx.msk [tilespmem:v9+s29+$0x0], $0xffff  }
0x174: {  	v8 =	vadd.f32 v35, v8  }
0x175: {  	s12 =	sadd.s32 $0x100, s9  }
0x176: {  	v37 =	vor.u32 s12, v1;
	v8 =	vadd.f32 v36, v8  }
0x177: {  	v38 =	vor.u32 s12, v0  }
0x178: {  	v8 =	vadd.f32 v9, v8  }
0x179: {  	v39 =	vor.u32 s12, v2;
	s11 =	sadd.s32 $0x20, s26  }
0x17a: {  	[tilespmem:s11+$0xFFFFFFF0] =	vst v8  }
0x17b: {  	v8 =	vor.u32 s12, v3;
	v10 =	vld.idx.msk [tilespmem:v37+s29+$0x0], $0xffff  }
0x17c: {  	v11 =	vld.idx.msk [tilespmem:v38+s29+$0x0], $0xffff  }
0x17d: {  	v40 =	vor.u32 s12, v4  }
0x17e: {  	v9 =	vld.idx.msk [tilespmem:v39+s29+$0x0], $0xffff  }
0x17f: {  	v41 =	vor.u32 s12, v5  }
0x180: {  	v8 =	vld.idx.msk [tilespmem:v8+s29+$0x0], $0xffff  }
0x181: {  	v42 =	vor.u32 s12, v6;
	v10 =	vadd.f32 v10, v11  }
0x182: {  	v43 =	vld.idx.msk [tilespmem:v40+s29+$0x0], $0xffff  }
0x183: {  	v44 =	vor.u32 s12, v7;
	v9 =	vadd.f32 v9, v10  }
0x184: {  	s13 =	sadd.s32 $0x108, s9;
	v45 =	vld.idx.msk [tilespmem:v41+s29+$0x0], $0xffff  }
0x185: {  	v46 =	vor.u32 s13, v0;
	v8 =	vadd.f32 v8, v9  }
0x186: {  	s14 =	sadd.s32 $0x109, s9;
	v47 =	vld.idx.msk [tilespmem:v42+s29+$0x0], $0xffff  }
0x187: {  	v48 =	vor.u32 s14, v1;
	v8 =	vadd.f32 v43, v8  }
0x188: {  	s15 =	sadd.s32 $0x10A, s9;
	v49 =	vld.idx.msk [tilespmem:v44+s29+$0x0], $0xffff  }
0x189: {  	v50 =	vor.u32 s15, v2;
	v8 =	vadd.f32 v45, v8  }
0x18a: {  	s26 =	sadd.s32 $0x10B, s9;
	v51 =	vld.idx.msk [tilespmem:v46+s29+$0x0], $0xffff  }
0x18b: {  	v52 =	vor.u32 s26, v3;
	v8 =	vadd.f32 v47, v8  }
0x18c: {  	s12 =	sadd.s32 $0x10C, s9;
	v53 =	vld.idx.msk [tilespmem:v48+s29+$0x0], $0xffff  }
0x18d: {  	v54 =	vor.u32 s12, v4;
	v8 =	vadd.f32 v49, v8  }
0x18e: {  	s13 =	sadd.s32 $0x10D, s9;
	v55 =	vld.idx.msk [tilespmem:v50+s29+$0x0], $0xffff  }
0x18f: {  	v56 =	vor.u32 s13, v5;
	v8 =	vadd.f32 v51, v8  }
0x190: {  	s14 =	sadd.s32 $0x10E, s9;
	v57 =	vld.idx.msk [tilespmem:v52+s29+$0x0], $0xffff  }
0x191: {  	v58 =	vor.u32 s14, v6;
	v8 =	vadd.f32 v53, v8  }
0x192: {  	s15 =	sadd.s32 $0x10F, s9;
	v59 =	vld.idx.msk [tilespmem:v54+s29+$0x0], $0xffff  }
0x193: {  	v60 =	vor.u32 s15, v7;
	v8 =	vadd.f32 v55, v8  }
0x194: {  	v61 =	vld.idx.msk [tilespmem:v56+s29+$0x0], $0xffff  }
0x195: {  	v8 =	vadd.f32 v57, v8  }
0x196: {  	v62 =	vld.idx.msk [tilespmem:v58+s29+$0x0], $0xffff  }
0x197: {  	v8 =	vadd.f32 v59, v8  }
0x198: {  	v63 =	vld.idx.msk [tilespmem:v60+s29+$0x0], $0xffff  }
0x199: {  	v8 =	vadd.f32 v61, v8;
	_ =	sdelay $0x1  }
0x19a: {  	v8 =	vadd.f32 v62, v8  }
0x19b: {  	s26 =	sshll.u32 s24, $0x8  }
0x19c: {  	s9 =	sadd.s32 s5, s26;
	v8 =	vadd.f32 v63, v8  }
0x19d: {  	s9 =	sshrl.u32 s9, $0x3  }
0x19e: {  	s9 =	sadd.s32 s2, s9;
	[tilespmem:s11+$0x0] =	vst v8  }
0x19f: {  	[hbm4b:s9+s6] =	stream.linear.scatter [tilespmem:s30], [sflag:$0x3], $0x80, $0x38;
	[tilespmem:$0x17440] =	vst v63  }
0x1a0: {  	s9 =	sadd.s32 $0x2, s25  }
0x1a1: {  	p1 =	sge.u32 s9, s7  }
0x1a2: {  	s9 =	sshll.u32 @!p1 s9, $0x7  }
0x1a3: {  	s10 =	simm.s32 @!p1 $0x80;
	s11 =	simm.s32 @!p1 $0x4F00;
	s9 =	sadd.s32 @!p1 s8, s9  }
0x1a4: {  	[tilespmem:s11], [sflag:$0x1] =	stream.indirect.gather @!p1 [spmem:s3], $0x40, s9, s10, $0xb8;
	[tilespmem:$0x17440] =	vst v63  }
0x1a5: {  	s9 =	sadd.s32 @!p1 $0x2780, s9;
	s11 =	simm.s32 @!p1 $0x6F00  }
0x1a6: {  	[tilespmem:s11], [sflag:$0x1] =	stream.indirect.gather @!p1 [spmem:s3], $0x40, s9, s10, $0xb8;
	[tilespmem:$0x17440] =	vst v63  }
.LBB2_8:
0x1a7: {  	s26 =	sor.u32 $0x1, s25  }
0x1a8: {  	p1 =	sge.u32 s26, s7  }
.Ltmp7:
0x1a9: {  	_ = 	snop;
	(pc) =	sbr.rel @p1 .LBB2_14-.Ltmp7, $1  }
0x1aa: {  	_ =	sdelay $0x3  }
0x1ab: {  	_ =	swait.ge [sflag:s31], $0x2000  }
0x1ac: {  	[sflag:s31] =	ssyncset.done $0x0  }
0x1ad: {  	[sflag:s31] =	ssyncadd.s32 $0xFFFFE000  }
0x1ae: {  	_ =	swait.ge [sflag:s31], $0x2000  }
0x1af: {  	p1 =	seq.s32 s24, $0x0;
	[sflag:s31] =	ssyncset.done $0x0  }
0x1b0: {  	s9 =	simm.s32 @!p1 $0x4;
	[sflag:s31] =	ssyncadd.s32 $0xFFFFE000  }
0x1b1: {  	_ =	swait.ge @!p1 [sflag:s9], $0x80  }
0x1b2: {  	s10 =	simm.s32 $0x16B80;
	[sflag:s9] =	ssyncset.done @!p1 $0x0  }
0x1b3: {  	s11 =	simm.s32 $0x0;
	[sflag:s9] =	ssyncadd.s32 @!p1 $0xFFFFFF80;
	s9 =	simm.s32 $0x0  }
.LBB2_10:
0x1b4: {  	s12 =	sshra.s32 s11, $0x2  }
0x1b5: {  	v8 =	vld [tilespmem:s12+$0x8F00]  }
0x1b6: {  	v9 =	vld [tilespmem:s12+$0xAF00]  }
0x1b7: {  	v10 =	vld [tilespmem:s12+$0x8F10]  }
0x1b8: {  	v11 =	vld [tilespmem:s12+$0xAF10]  }
0x1b9: {  	v12 =	vld [tilespmem:s12+$0x8F20]  }
0x1ba: {  	v13 =	vld [tilespmem:s12+$0xAF20]  }
0x1bb: {  	v14 =	vld [tilespmem:s12+$0x8F30]  }
0x1bc: {  	v15 =	vld [tilespmem:s12+$0xAF30]  }
0x1bd: {  	v8 =	vmul.bf16 v9, v8;
	v37 =	vmul.bf16 v11, v10;
	_ =	sdelay $0x1  }
0x1be: {  	v38 =	vmul.bf16 v13, v12;
	v8 =	vadd.bf16 v37, v8;
	_ =	sdelay $0x1  }
0x1bf: {  	v39 =	vmul.bf16 v15, v14;
	v8 =	vadd.bf16 v38, v8;
	_ =	sdelay $0x1  }
0x1c0: {  	v8 =	vadd.bf16 v39, v8;
	_ =	sdelay $0x1  }
0x1c1: {  	v9 =	vunpack.i.u.bf16.f32 v8;
	v8 =	vunpack.i.l.bf16.f32 v8  }
0x1c2: {  	v8 =	vadd.f32 v8, v9;
	_ =	sdelay $0x1  }
0x1c3: {  	[tilespmem:s10+$0xFFFFFFC0] =	vst v8  }
0x1c4: {  	v8 =	vld [tilespmem:s12+$0x8F40]  }
0x1c5: {  	v40 =	vld [tilespmem:s12+$0xAF40]  }
0x1c6: {  	v41 =	vld [tilespmem:s12+$0x8F50]  }
0x1c7: {  	v42 =	vld [tilespmem:s12+$0xAF50]  }
0x1c8: {  	v43 =	vld [tilespmem:s12+$0x8F60]  }
0x1c9: {  	v44 =	vld [tilespmem:s12+$0xAF60]  }
0x1ca: {  	v45 =	vld [tilespmem:s12+$0x8F70]  }
0x1cb: {  	v46 =	vld [tilespmem:s12+$0xAF70]  }
0x1cc: {  	v8 =	vmul.bf16 v40, v8;
	v47 =	vmul.bf16 v42, v41;
	_ =	sdelay $0x1  }
0x1cd: {  	v48 =	vmul.bf16 v44, v43;
	v8 =	vadd.bf16 v47, v8;
	_ =	sdelay $0x1  }
0x1ce: {  	v49 =	vmul.bf16 v46, v45;
	v8 =	vadd.bf16 v48, v8;
	_ =	sdelay $0x1  }
0x1cf: {  	v8 =	vadd.bf16 v49, v8;
	_ =	sdelay $0x1  }
0x1d0: {  	v9 =	vunpack.i.u.bf16.f32 v8;
	v8 =	vunpack.i.l.bf16.f32 v8  }
0x1d1: {  	v8 =	vadd.f32 v8, v9;
	_ =	sdelay $0x1  }
0x1d2: {  	[tilespmem:s10+$0xFFFFFFD0] =	vst v8  }
0x1d3: {  	v8 =	vld [tilespmem:s12+$0x8F80]  }
0x1d4: {  	v50 =	vld [tilespmem:s12+$0xAF80]  }
0x1d5: {  	v51 =	vld [tilespmem:s12+$0x8F90]  }
0x1d6: {  	v52 =	vld [tilespmem:s12+$0xAF90]  }
0x1d7: {  	v53 =	vld [tilespmem:s12+$0x8FA0]  }
0x1d8: {  	v54 =	vld [tilespmem:s12+$0xAFA0]  }
0x1d9: {  	v55 =	vld [tilespmem:s12+$0x8FB0]  }
0x1da: {  	v56 =	vld [tilespmem:s12+$0xAFB0]  }
0x1db: {  	v8 =	vmul.bf16 v50, v8;
	v57 =	vmul.bf16 v52, v51;
	_ =	sdelay $0x1  }
0x1dc: {  	v58 =	vmul.bf16 v54, v53;
	v8 =	vadd.bf16 v57, v8;
	_ =	sdelay $0x1  }
0x1dd: {  	v59 =	vmul.bf16 v56, v55;
	v8 =	vadd.bf16 v58, v8;
	_ =	sdelay $0x1  }
0x1de: {  	v8 =	vadd.bf16 v59, v8;
	_ =	sdelay $0x1  }
0x1df: {  	v9 =	vunpack.i.u.bf16.f32 v8;
	v8 =	vunpack.i.l.bf16.f32 v8  }
0x1e0: {  	v8 =	vadd.f32 v8, v9;
	_ =	sdelay $0x1  }
0x1e1: {  	[tilespmem:s10+$0xFFFFFFE0] =	vst v8  }
0x1e2: {  	v8 =	vld [tilespmem:s12+$0x8FC0]  }
0x1e3: {  	v60 =	vld [tilespmem:s12+$0xAFC0]  }
0x1e4: {  	v61 =	vld [tilespmem:s12+$0x8FD0]  }
0x1e5: {  	v62 =	vld [tilespmem:s12+$0xAFD0]  }
0x1e6: {  	v63 =	vld [tilespmem:s12+$0x8FE0]  }
0x1e7: {  	v18 =	vld [tilespmem:s12+$0xAFE0]  }
0x1e8: {  	v19 =	vld [tilespmem:s12+$0x8FF0]  }
0x1e9: {  	v20 =	vld [tilespmem:s12+$0xAFF0]  }
0x1ea: {  	v8 =	vmul.bf16 v60, v8;
	v21 =	vmul.bf16 v62, v61;
	_ =	sdelay $0x1  }
0x1eb: {  	v22 =	vmul.bf16 v18, v63;
	v8 =	vadd.bf16 v21, v8;
	_ =	sdelay $0x1  }
0x1ec: {  	v23 =	vmul.bf16 v20, v19;
	v8 =	vadd.bf16 v22, v8;
	_ =	sdelay $0x1  }
0x1ed: {  	v8 =	vadd.bf16 v23, v8;
	_ =	sdelay $0x1  }
0x1ee: {  	v9 =	vunpack.i.u.bf16.f32 v8;
	v8 =	vunpack.i.l.bf16.f32 v8  }
0x1ef: {  	v8 =	vadd.f32 v8, v9;
	_ =	sdelay $0x1  }
0x1f0: {  	[tilespmem:s10+$0xFFFFFFF0] =	vst v8  }
0x1f1: {  	v8 =	vld [tilespmem:s12+$0x9000]  }
0x1f2: {  	v24 =	vld [tilespmem:s12+$0xB000]  }
0x1f3: {  	v25 =	vld [tilespmem:s12+$0x9010]  }
0x1f4: {  	v26 =	vld [tilespmem:s12+$0xB010]  }
0x1f5: {  	v27 =	vld [tilespmem:s12+$0x9020]  }
0x1f6: {  	v28 =	vld [tilespmem:s12+$0xB020]  }
0x1f7: {  	v29 =	vld [tilespmem:s12+$0x9030]  }
0x1f8: {  	v30 =	vld [tilespmem:s12+$0xB030]  }
0x1f9: {  	v8 =	vmul.bf16 v24, v8;
	v31 =	vmul.bf16 v26, v25;
	_ =	sdelay $0x1  }
0x1fa: {  	v32 =	vmul.bf16 v28, v27;
	v8 =	vadd.bf16 v31, v8;
	_ =	sdelay $0x1  }
0x1fb: {  	v33 =	vmul.bf16 v30, v29;
	v8 =	vadd.bf16 v32, v8;
	_ =	sdelay $0x1  }
0x1fc: {  	v8 =	vadd.bf16 v33, v8;
	_ =	sdelay $0x1  }
0x1fd: {  	v9 =	vunpack.i.u.bf16.f32 v8;
	v8 =	vunpack.i.l.bf16.f32 v8  }
0x1fe: {  	v8 =	vadd.f32 v8, v9;
	_ =	sdelay $0x1  }
0x1ff: {  	[tilespmem:s10+$0x0] =	vst v8  }
0x200: {  	v8 =	vld [tilespmem:s12+$0x9040]  }
0x201: {  	v34 =	vld [tilespmem:s12+$0xB040]  }
0x202: {  	v35 =	vld [tilespmem:s12+$0x9050]  }
0x203: {  	v36 =	vld [tilespmem:s12+$0xB050]  }
0x204: {  	v37 =	vld [tilespmem:s12+$0x9060]  }
0x205: {  	v38 =	vld [tilespmem:s12+$0xB060]  }
0x206: {  	v39 =	vld [tilespmem:s12+$0x9070]  }
0x207: {  	v40 =	vld [tilespmem:s12+$0xB070]  }
0x208: {  	v8 =	vmul.bf16 v34, v8;
	v41 =	vmul.bf16 v36, v35;
	_ =	sdelay $0x1  }
0x209: {  	v42 =	vmul.bf16 v38, v37;
	v8 =	vadd.bf16 v41, v8;
	_ =	sdelay $0x1  }
0x20a: {  	v43 =	vmul.bf16 v40, v39;
	v8 =	vadd.bf16 v42, v8;
	_ =	sdelay $0x1  }
0x20b: {  	v8 =	vadd.bf16 v43, v8;
	_ =	sdelay $0x1  }
0x20c: {  	v9 =	vunpack.i.u.bf16.f32 v8;
	v8 =	vunpack.i.l.bf16.f32 v8  }
0x20d: {  	v8 =	vadd.f32 v8, v9;
	_ =	sdelay $0x1  }
0x20e: {  	[tilespmem:s10+$0x10] =	vst v8  }
0x20f: {  	v8 =	vld [tilespmem:s12+$0x9080]  }
0x210: {  	v44 =	vld [tilespmem:s12+$0xB080]  }
0x211: {  	v45 =	vld [tilespmem:s12+$0x9090]  }
0x212: {  	v46 =	vld [tilespmem:s12+$0xB090]  }
0x213: {  	v47 =	vld [tilespmem:s12+$0x90A0]  }
0x214: {  	v48 =	vld [tilespmem:s12+$0xB0A0]  }
0x215: {  	v49 =	vld [tilespmem:s12+$0x90B0]  }
0x216: {  	v50 =	vld [tilespmem:s12+$0xB0B0]  }
0x217: {  	v8 =	vmul.bf16 v44, v8;
	v51 =	vmul.bf16 v46, v45;
	_ =	sdelay $0x1  }
0x218: {  	v52 =	vmul.bf16 v48, v47;
	v8 =	vadd.bf16 v51, v8;
	_ =	sdelay $0x1  }
0x219: {  	v53 =	vmul.bf16 v50, v49;
	v8 =	vadd.bf16 v52, v8;
	_ =	sdelay $0x1  }
0x21a: {  	v8 =	vadd.bf16 v53, v8;
	_ =	sdelay $0x1  }
0x21b: {  	v9 =	vunpack.i.u.bf16.f32 v8;
	v8 =	vunpack.i.l.bf16.f32 v8  }
0x21c: {  	v8 =	vadd.f32 v8, v9;
	_ =	sdelay $0x1  }
0x21d: {  	[tilespmem:s10+$0x20] =	vst v8  }
0x21e: {  	v8 =	vld [tilespmem:s12+$0x90C0]  }
0x21f: {  	v54 =	vld [tilespmem:s12+$0xB0C0]  }
0x220: {  	v55 =	vld [tilespmem:s12+$0x90D0]  }
0x221: {  	v56 =	vld [tilespmem:s12+$0xB0D0]  }
0x222: {  	v57 =	vld [tilespmem:s12+$0x90E0]  }
0x223: {  	v58 =	vld [tilespmem:s12+$0xB0E0]  }
0x224: {  	v59 =	vld [tilespmem:s12+$0x90F0]  }
0x225: {  	v60 =	vld [tilespmem:s12+$0xB0F0]  }
0x226: {  	v8 =	vmul.bf16 v54, v8;
	v61 =	vmul.bf16 v56, v55;
	_ =	sdelay $0x1  }
0x227: {  	v62 =	vmul.bf16 v58, v57;
	v8 =	vadd.bf16 v61, v8;
	_ =	sdelay $0x1  }
0x228: {  	v63 =	vmul.bf16 v60, v59;
	v8 =	vadd.bf16 v62, v8;
	_ =	sdelay $0x1  }
0x229: {  	p1 =	sne.s32 s11, $0x7800;
	v8 =	vadd.bf16 v63, v8  }
.Ltmp8:
0x22a: {  	_ = 	snop;
	(pc) =	sbr.rel @p1 .LBB2_10-.Ltmp8, $3  }
0x22b: {  	v9 =	vunpack.i.u.bf16.f32 v8;
	v8 =	vunpack.i.l.bf16.f32 v8  }
0x22c: {  	v8 =	vadd.f32 v8, v9;
	_ =	sdelay $0x1  }
0x22d: {  	s11 =	sadd.s32 $0x800, s11;
	[tilespmem:s10+$0x30] =	vst v8;
	s10 =	sadd.s32 $0x80, s10  }
0x22e: {  	v8 =	vor.u32 s9, v0  }
0x22f: {  	v9 =	vor.u32 s9, v1;
	_ =	sdelay $0x1  }
0x230: {  	v10 =	vor.u32 s9, v2;
	_ =	sdelay $0x1  }
0x231: {  	v11 =	vor.u32 s9, v3;
	v8 =	vld.idx.msk [tilespmem:v8+s29+$0x0], $0xffff  }
0x232: {  	v9 =	vld.idx.msk [tilespmem:v9+s29+$0x0], $0xffff  }
0x233: {  	v12 =	vor.u32 s9, v4  }
0x234: {  	v10 =	vld.idx.msk [tilespmem:v10+s29+$0x0], $0xffff  }
0x235: {  	v13 =	vor.u32 s9, v5  }
0x236: {  	v11 =	vld.idx.msk [tilespmem:v11+s29+$0x0], $0xffff  }
0x237: {  	v14 =	vor.u32 s9, v6;
	v8 =	vadd.f32 v9, v8  }
0x238: {  	v9 =	vld.idx.msk [tilespmem:v12+s29+$0x0], $0xffff  }
0x239: {  	v12 =	vor.u32 s9, v7;
	v8 =	vadd.f32 v10, v8  }
0x23a: {  	s11 =	simm.s32 $0x8;
	v10 =	vld.idx.msk [tilespmem:v13+s29+$0x0], $0xffff  }
0x23b: {  	v13 =	vor.u32 s11, v0;
	v8 =	vadd.f32 v11, v8  }
0x23c: {  	s12 =	simm.s32 $0x9;
	v11 =	vld.idx.msk [tilespmem:v14+s29+$0x0], $0xffff  }
0x23d: {  	v14 =	vor.u32 s12, v1;
	v8 =	vadd.f32 v9, v8  }
0x23e: {  	s13 =	simm.s32 $0xA;
	v9 =	vld.idx.msk [tilespmem:v12+s29+$0x0], $0xffff  }
0x23f: {  	v12 =	vor.u32 s13, v2;
	v8 =	vadd.f32 v10, v8  }
0x240: {  	s14 =	simm.s32 $0xB;
	v10 =	vld.idx.msk [tilespmem:v13+s29+$0x0], $0xffff  }
0x241: {  	v13 =	vor.u32 s14, v3;
	v8 =	vadd.f32 v11, v8  }
0x242: {  	s15 =	simm.s32 $0xC;
	v11 =	vld.idx.msk [tilespmem:v14+s29+$0x0], $0xffff  }
0x243: {  	v14 =	vor.u32 s15, v4;
	v8 =	vadd.f32 v9, v8  }
0x244: {  	s10 =	simm.s32 $0xD;
	v9 =	vld.idx.msk [tilespmem:v12+s29+$0x0], $0xffff  }
0x245: {  	v12 =	vor.u32 s10, v5;
	v8 =	vadd.f32 v10, v8  }
0x246: {  	s11 =	simm.s32 $0xE;
	v10 =	vld.idx.msk [tilespmem:v13+s29+$0x0], $0xffff  }
0x247: {  	v13 =	vor.u32 s11, v6;
	v8 =	vadd.f32 v11, v8  }
0x248: {  	s12 =	simm.s32 $0xF;
	v11 =	vld.idx.msk [tilespmem:v14+s29+$0x0], $0xffff  }
0x249: {  	v14 =	vor.u32 s12, v7;
	v8 =	vadd.f32 v9, v8  }
0x24a: {  	v9 =	vld.idx.msk [tilespmem:v12+s29+$0x0], $0xffff  }
0x24b: {  	v8 =	vadd.f32 v10, v8  }
0x24c: {  	v10 =	vld.idx.msk [tilespmem:v13+s29+$0x0], $0xffff  }
0x24d: {  	v8 =	vadd.f32 v11, v8  }
0x24e: {  	v11 =	vld.idx.msk [tilespmem:v14+s29+$0x0], $0xffff  }
0x24f: {  	v8 =	vadd.f32 v9, v8  }
0x250: {  	s10 =	simm.s32 $0x100  }
0x251: {  	v9 =	vor.u32 s10, v1;
	v8 =	vadd.f32 v10, v8  }
0x252: {  	v10 =	vor.u32 s10, v0  }
0x253: {  	v8 =	vadd.f32 v11, v8  }
0x254: {  	s9 =	simm.s32 $0x173D0;
	v11 =	vor.u32 s10, v2  }
0x255: {  	[tilespmem:s9+$0xFFFFFFF0] =	vst v8  }
0x256: {  	v8 =	vor.u32 s10, v3;
	v9 =	vld.idx.msk [tilespmem:v9+s29+$0x0], $0xffff  }
0x257: {  	v10 =	vld.idx.msk [tilespmem:v10+s29+$0x0], $0xffff  }
0x258: {  	v12 =	vor.u32 s10, v4  }
0x259: {  	v11 =	vld.idx.msk [tilespmem:v11+s29+$0x0], $0xffff  }
0x25a: {  	v13 =	vor.u32 s10, v5  }
0x25b: {  	v8 =	vld.idx.msk [tilespmem:v8+s29+$0x0], $0xffff  }
0x25c: {  	v14 =	vor.u32 s10, v6;
	v9 =	vadd.f32 v9, v10  }
0x25d: {  	v10 =	vld.idx.msk [tilespmem:v12+s29+$0x0], $0xffff  }
0x25e: {  	v12 =	vor.u32 s10, v7;
	v9 =	vadd.f32 v11, v9  }
0x25f: {  	s13 =	simm.s32 $0x108;
	v11 =	vld.idx.msk [tilespmem:v13+s29+$0x0], $0xffff  }
0x260: {  	v13 =	vor.u32 s13, v0;
	v8 =	vadd.f32 v8, v9  }
0x261: {  	s14 =	simm.s32 $0x109;
	v9 =	vld.idx.msk [tilespmem:v14+s29+$0x0], $0xffff  }
0x262: {  	v14 =	vor.u32 s14, v1;
	v8 =	vadd.f32 v10, v8  }
0x263: {  	s15 =	simm.s32 $0x10A;
	v10 =	vld.idx.msk [tilespmem:v12+s29+$0x0], $0xffff  }
0x264: {  	v12 =	vor.u32 s15, v2;
	v8 =	vadd.f32 v11, v8  }
0x265: {  	s11 =	simm.s32 $0x10B;
	v11 =	vld.idx.msk [tilespmem:v13+s29+$0x0], $0xffff  }
0x266: {  	v13 =	vor.u32 s11, v3;
	v8 =	vadd.f32 v9, v8  }
0x267: {  	s12 =	simm.s32 $0x10C;
	v9 =	vld.idx.msk [tilespmem:v14+s29+$0x0], $0xffff  }
0x268: {  	v14 =	vor.u32 s12, v4;
	v8 =	vadd.f32 v10, v8  }
0x269: {  	s13 =	simm.s32 $0x10D;
	v10 =	vld.idx.msk [tilespmem:v12+s29+$0x0], $0xffff  }
0x26a: {  	v12 =	vor.u32 s13, v5;
	v8 =	vadd.f32 v11, v8  }
0x26b: {  	s14 =	simm.s32 $0x10E;
	v11 =	vld.idx.msk [tilespmem:v13+s29+$0x0], $0xffff  }
0x26c: {  	v13 =	vor.u32 s14, v6;
	v8 =	vadd.f32 v9, v8  }
0x26d: {  	s15 =	simm.s32 $0x10F;
	v9 =	vld.idx.msk [tilespmem:v14+s29+$0x0], $0xffff  }
0x26e: {  	v14 =	vor.u32 s15, v7;
	v8 =	vadd.f32 v10, v8  }
0x26f: {  	v10 =	vld.idx.msk [tilespmem:v12+s29+$0x0], $0xffff  }
0x270: {  	v8 =	vadd.f32 v11, v8  }
0x271: {  	v11 =	vld.idx.msk [tilespmem:v13+s29+$0x0], $0xffff  }
0x272: {  	v8 =	vadd.f32 v9, v8  }
0x273: {  	v12 =	vld.idx.msk [tilespmem:v14+s29+$0x0], $0xffff  }
0x274: {  	v8 =	vadd.f32 v10, v8;
	_ =	sdelay $0x1  }
0x275: {  	s10 =	simm.s32 $0x200;
	s12 =	simm.s32 $0x20F;
	v13 =	vadd.f32 v11, v8  }
0x276: {  	v9 =	vor.u32 s12, v7;
	v10 =	vor.u32 s10, v0  }
0x277: {  	s11 =	simm.s32 $0x400;
	s12 =	simm.s32 $0x173D0;
	v8 =	vor.u32 s10, v2;
	v11 =	vor.u32 s10, v1;
	v12 =	vadd.f32 v12, v13  }
.LBB2_12:
0x278: {  	p1 =	sne.s32 s11, $0x600  }
0x279: {  	v13 =	vor.u32 s11, v2;
	s9 =	sadd.s32 $0x20, s9;
	s13 =	smov.u32 s11;
	s11 =	sadd.s32 $0x200, s11  }
0x27a: {  	[tilespmem:s12+$0x0] =	vst v12;
	s12 =	smov.u32 s9  }
0x27b: {  	v12 =	vor.u32 s10, v3;
	v10 =	vld.idx.msk [tilespmem:v10+s29+$0x0], $0xffff  }
0x27c: {  	v11 =	vld.idx.msk [tilespmem:v11+s29+$0x0], $0xffff  }
0x27d: {  	v14 =	vor.u32 s10, v4;
	v9 =	vld.idx.msk [tilespmem:v9+s29+$0x0], $0xffff  }
0x27e: {  	v15 =	vld.idx.msk [tilespmem:v8+s29+$0x0], $0xffff;
	v8 =	vmov v13  }
0x27f: {  	v13 =	vor.u32 s10, v5  }
0x280: {  	v12 =	vld.idx.msk [tilespmem:v12+s29+$0x0], $0xffff  }
0x281: {  	v16 =	vor.u32 s10, v6  }
0x282: {  	v10 =	vadd.f32 v11, v10;
	v11 =	vld.idx.msk [tilespmem:v14+s29+$0x0], $0xffff  }
0x283: {  	v14 =	vor.u32 s10, v7  }
0x284: {  	s14 =	sadd.s32 $0x8, s10;
	v10 =	vadd.f32 v15, v10;
	v13 =	vld.idx.msk [tilespmem:v13+s29+$0x0], $0xffff  }
0x285: {  	v15 =	vor.u32 s14, v0  }
0x286: {  	s14 =	sadd.s32 $0x9, s10;
	v10 =	vadd.f32 v12, v10;
	v12 =	vld.idx.msk [tilespmem:v16+s29+$0x0], $0xffff  }
0x287: {  	v16 =	vor.u32 s14, v1  }
0x288: {  	s14 =	sadd.s32 $0xA, s10;
	v10 =	vadd.f32 v11, v10;
	v11 =	vld.idx.msk [tilespmem:v14+s29+$0x0], $0xffff  }
0x289: {  	v14 =	vor.u32 s14, v2  }
0x28a: {  	s14 =	sadd.s32 $0xB, s10;
	v10 =	vadd.f32 v13, v10;
	v13 =	vld.idx.msk [tilespmem:v15+s29+$0x0], $0xffff  }
0x28b: {  	v15 =	vor.u32 s14, v3  }
0x28c: {  	s14 =	sadd.s32 $0xC, s10;
	v10 =	vadd.f32 v12, v10;
	v12 =	vld.idx.msk [tilespmem:v16+s29+$0x0], $0xffff  }
0x28d: {  	v16 =	vor.u32 s14, v4  }
0x28e: {  	s14 =	sadd.s32 $0xD, s10;
	v10 =	vadd.f32 v11, v10;
	v11 =	vld.idx.msk [tilespmem:v14+s29+$0x0], $0xffff  }
0x28f: {  	v14 =	vor.u32 s14, v5  }
0x290: {  	s14 =	sadd.s32 $0xE, s10;
	v10 =	vadd.f32 v13, v10;
	v13 =	vld.idx.msk [tilespmem:v15+s29+$0x0], $0xffff  }
0x291: {  	v15 =	vor.u32 s14, v6  }
0x292: {  	v10 =	vadd.f32 v12, v10;
	v12 =	vld.idx.msk [tilespmem:v16+s29+$0x0], $0xffff;
	_ =	sdelay $0x1  }
0x293: {  	v10 =	vadd.f32 v11, v10;
	v11 =	vld.idx.msk [tilespmem:v14+s29+$0x0], $0xffff;
	_ =	sdelay $0x1  }
0x294: {  	v10 =	vadd.f32 v13, v10;
	v13 =	vld.idx.msk [tilespmem:v15+s29+$0x0], $0xffff;
	_ =	sdelay $0x1  }
0x295: {  	v10 =	vadd.f32 v12, v10;
	_ =	sdelay $0x1  }
0x296: {  	v10 =	vadd.f32 v11, v10  }
0x297: {  	s14 =	sadd.s32 $0x100, s10  }
0x298: {  	v12 =	vor.u32 s14, v1;
	v11 =	vor.u32 s14, v0;
	v10 =	vadd.f32 v13, v10;
	_ =	sdelay $0x1  }
0x299: {  	s15 =	sadd.s32 $0x10F, s10;
	v9 =	vadd.f32 v9, v10;
	v10 =	vor.u32 s14, v2  }
0x29a: {  	v13 =	vor.u32 s15, v7  }
0x29b: {  	[tilespmem:s9+$0xFFFFFFF0] =	vst v9;
	v9 =	vor.u32 s14, v3  }
0x29c: {  	v12 =	vld.idx.msk [tilespmem:v12+s29+$0x0], $0xffff  }
0x29d: {  	v14 =	vor.u32 s14, v4;
	v11 =	vld.idx.msk [tilespmem:v11+s29+$0x0], $0xffff  }
0x29e: {  	v10 =	vld.idx.msk [tilespmem:v10+s29+$0x0], $0xffff  }
0x29f: {  	v15 =	vor.u32 s14, v5;
	v13 =	vld.idx.msk [tilespmem:v13+s29+$0x0], $0xffff  }
0x2a0: {  	v9 =	vld.idx.msk [tilespmem:v9+s29+$0x0], $0xffff  }
0x2a1: {  	v16 =	vor.u32 s14, v6  }
0x2a2: {  	v14 =	vld.idx.msk [tilespmem:v14+s29+$0x0], $0xffff  }
0x2a3: {  	v11 =	vadd.f32 v12, v11;
	v12 =	vor.u32 s14, v7  }
0x2a4: {  	s14 =	sadd.s32 $0x108, s10;
	v15 =	vld.idx.msk [tilespmem:v15+s29+$0x0], $0xffff  }
0x2a5: {  	v10 =	vadd.f32 v10, v11;
	v11 =	vor.u32 s14, v0  }
0x2a6: {  	s14 =	sadd.s32 $0x109, s10;
	v16 =	vld.idx.msk [tilespmem:v16+s29+$0x0], $0xffff  }
0x2a7: {  	v9 =	vadd.f32 v9, v10;
	v10 =	vor.u32 s14, v1  }
0x2a8: {  	s14 =	sadd.s32 $0x10A, s10;
	v12 =	vld.idx.msk [tilespmem:v12+s29+$0x0], $0xffff  }
0x2a9: {  	v9 =	vadd.f32 v14, v9;
	v14 =	vor.u32 s14, v2  }
0x2aa: {  	s14 =	sadd.s32 $0x10B, s10;
	v11 =	vld.idx.msk [tilespmem:v11+s29+$0x0], $0xffff  }
0x2ab: {  	v9 =	vadd.f32 v15, v9;
	v15 =	vor.u32 s14, v3  }
0x2ac: {  	s14 =	sadd.s32 $0x10C, s10;
	v10 =	vld.idx.msk [tilespmem:v10+s29+$0x0], $0xffff  }
0x2ad: {  	v9 =	vadd.f32 v16, v9;
	v16 =	vor.u32 s14, v4  }
0x2ae: {  	s14 =	sadd.s32 $0x10D, s10;
	v14 =	vld.idx.msk [tilespmem:v14+s29+$0x0], $0xffff  }
0x2af: {  	v9 =	vadd.f32 v12, v9;
	v12 =	vor.u32 s14, v5  }
0x2b0: {  	s14 =	sadd.s32 $0x10E, s10;
	s10 =	smov.u32 s13;
	v15 =	vld.idx.msk [tilespmem:v15+s29+$0x0], $0xffff  }
0x2b1: {  	v9 =	vadd.f32 v11, v9;
	v11 =	vor.u32 s14, v6  }
0x2b2: {  	v16 =	vld.idx.msk [tilespmem:v16+s29+$0x0], $0xffff  }
0x2b3: {  	v9 =	vadd.f32 v10, v9  }
0x2b4: {  	v10 =	vld.idx.msk [tilespmem:v12+s29+$0x0], $0xffff  }
0x2b5: {  	v9 =	vadd.f32 v14, v9  }
0x2b6: {  	v11 =	vld.idx.msk [tilespmem:v11+s29+$0x0], $0xffff  }
0x2b7: {  	v9 =	vadd.f32 v15, v9;
	_ =	sdelay $0x1  }
0x2b8: {  	v9 =	vadd.f32 v16, v9;
	_ =	sdelay $0x1  }
.Ltmp9:
0x2b9: {  	v9 =	vadd.f32 v10, v9;
	(pc) =	sbr.rel @p1 .LBB2_12-.Ltmp9, $4  }
0x2ba: {  	v10 =	vor.u32 s10, v0  }
0x2bb: {  	v12 =	vadd.f32 v11, v9  }
0x2bc: {  	s13 =	sadd.s32 $0xF, s10;
	v11 =	vor.u32 s10, v1  }
0x2bd: {  	v9 =	vor.u32 s13, v7;
	v12 =	vadd.f32 v13, v12  }
0x2be: {  	_ =	sdelay $0x2  }
0x2bf: {  	[tilespmem:s12+$0x0] =	vst v12  }
0x2c0: {  	v17 =	vor.u32 s10, v3;
	v10 =	vld.idx.msk [tilespmem:v10+s29+$0x0], $0xffff  }
0x2c1: {  	v11 =	vld.idx.msk [tilespmem:v11+s29+$0x0], $0xffff  }
0x2c2: {  	v13 =	vor.u32 s10, v4  }
0x2c3: {  	v8 =	vld.idx.msk [tilespmem:v8+s29+$0x0], $0xffff  }
0x2c4: {  	v14 =	vor.u32 s10, v5  }
0x2c5: {  	v12 =	vld.idx.msk [tilespmem:v17+s29+$0x0], $0xffff  }
0x2c6: {  	v15 =	vor.u32 s10, v6;
	v10 =	vadd.f32 v11, v10  }
0x2c7: {  	v18 =	vld.idx.msk [tilespmem:v13+s29+$0x0], $0xffff  }
0x2c8: {  	v19 =	vor.u32 s10, v7;
	v8 =	vadd.f32 v8, v10  }
0x2c9: {  	s11 =	sadd.s32 $0x8, s10;
	v20 =	vld.idx.msk [tilespmem:v14+s29+$0x0], $0xffff  }
0x2ca: {  	v21 =	vor.u32 s11, v0;
	v8 =	vadd.f32 v12, v8  }
0x2cb: {  	s12 =	sadd.s32 $0x9, s10;
	v22 =	vld.idx.msk [tilespmem:v15+s29+$0x0], $0xffff  }
0x2cc: {  	v23 =	vor.u32 s12, v1;
	v8 =	vadd.f32 v18, v8  }
0x2cd: {  	s13 =	sadd.s32 $0xA, s10;
	v24 =	vld.idx.msk [tilespmem:v19+s29+$0x0], $0xffff  }
0x2ce: {  	v25 =	vor.u32 s13, v2;
	v8 =	vadd.f32 v20, v8  }
0x2cf: {  	s14 =	sadd.s32 $0xB, s10;
	v26 =	vld.idx.msk [tilespmem:v21+s29+$0x0], $0xffff  }
0x2d0: {  	v27 =	vor.u32 s14, v3;
	v8 =	vadd.f32 v22, v8  }
0x2d1: {  	s15 =	sadd.s32 $0xC, s10;
	v28 =	vld.idx.msk [tilespmem:v23+s29+$0x0], $0xffff  }
0x2d2: {  	v29 =	vor.u32 s15, v4;
	v8 =	vadd.f32 v24, v8  }
0x2d3: {  	s12 =	sadd.s32 $0xD, s10;
	v30 =	vld.idx.msk [tilespmem:v25+s29+$0x0], $0xffff  }
0x2d4: {  	v31 =	vor.u32 s12, v5;
	v8 =	vadd.f32 v26, v8  }
0x2d5: {  	s13 =	sadd.s32 $0xE, s10;
	v32 =	vld.idx.msk [tilespmem:v27+s29+$0x0], $0xffff  }
0x2d6: {  	v33 =	vor.u32 s13, v6;
	v8 =	vadd.f32 v28, v8  }
0x2d7: {  	v34 =	vld.idx.msk [tilespmem:v29+s29+$0x0], $0xffff  }
0x2d8: {  	v8 =	vadd.f32 v30, v8  }
0x2d9: {  	v35 =	vld.idx.msk [tilespmem:v31+s29+$0x0], $0xffff  }
0x2da: {  	v8 =	vadd.f32 v32, v8  }
0x2db: {  	v36 =	vld.idx.msk [tilespmem:v33+s29+$0x0], $0xffff  }
0x2dc: {  	v8 =	vadd.f32 v34, v8  }
0x2dd: {  	v9 =	vld.idx.msk [tilespmem:v9+s29+$0x0], $0xffff  }
0x2de: {  	v8 =	vadd.f32 v35, v8  }
0x2df: {  	s14 =	sadd.s32 $0x100, s10  }
0x2e0: {  	v37 =	vor.u32 s14, v1;
	v8 =	vadd.f32 v36, v8  }
0x2e1: {  	v38 =	vor.u32 s14, v0  }
0x2e2: {  	v8 =	vadd.f32 v9, v8  }
0x2e3: {  	s9 =	sadd.s32 $0x20, s9;
	v39 =	vor.u32 s14, v2  }
0x2e4: {  	[tilespmem:s9+$0xFFFFFFF0] =	vst v8  }
0x2e5: {  	v8 =	vor.u32 s14, v3;
	v10 =	vld.idx.msk [tilespmem:v37+s29+$0x0], $0xffff  }
0x2e6: {  	v11 =	vld.idx.msk [tilespmem:v38+s29+$0x0], $0xffff  }
0x2e7: {  	v40 =	vor.u32 s14, v4  }
0x2e8: {  	v9 =	vld.idx.msk [tilespmem:v39+s29+$0x0], $0xffff  }
0x2e9: {  	v41 =	vor.u32 s14, v5  }
0x2ea: {  	v8 =	vld.idx.msk [tilespmem:v8+s29+$0x0], $0xffff  }
0x2eb: {  	v42 =	vor.u32 s14, v6;
	v10 =	vadd.f32 v10, v11  }
0x2ec: {  	v43 =	vld.idx.msk [tilespmem:v40+s29+$0x0], $0xffff  }
0x2ed: {  	v44 =	vor.u32 s14, v7;
	v9 =	vadd.f32 v9, v10  }
0x2ee: {  	s15 =	sadd.s32 $0x108, s10;
	v45 =	vld.idx.msk [tilespmem:v41+s29+$0x0], $0xffff  }
0x2ef: {  	v46 =	vor.u32 s15, v0;
	v8 =	vadd.f32 v8, v9  }
0x2f0: {  	s12 =	sadd.s32 $0x109, s10;
	v47 =	vld.idx.msk [tilespmem:v42+s29+$0x0], $0xffff  }
0x2f1: {  	v48 =	vor.u32 s12, v1;
	v8 =	vadd.f32 v43, v8  }
0x2f2: {  	s13 =	sadd.s32 $0x10A, s10;
	v49 =	vld.idx.msk [tilespmem:v44+s29+$0x0], $0xffff  }
0x2f3: {  	v50 =	vor.u32 s13, v2;
	v8 =	vadd.f32 v45, v8  }
0x2f4: {  	s14 =	sadd.s32 $0x10B, s10;
	v51 =	vld.idx.msk [tilespmem:v46+s29+$0x0], $0xffff  }
0x2f5: {  	v52 =	vor.u32 s14, v3;
	v8 =	vadd.f32 v47, v8  }
0x2f6: {  	s15 =	sadd.s32 $0x10C, s10;
	v53 =	vld.idx.msk [tilespmem:v48+s29+$0x0], $0xffff  }
0x2f7: {  	v54 =	vor.u32 s15, v4;
	v8 =	vadd.f32 v49, v8  }
0x2f8: {  	s12 =	sadd.s32 $0x10D, s10;
	v55 =	vld.idx.msk [tilespmem:v50+s29+$0x0], $0xffff  }
0x2f9: {  	v56 =	vor.u32 s12, v5;
	v8 =	vadd.f32 v51, v8  }
0x2fa: {  	s13 =	sadd.s32 $0x10E, s10;
	v57 =	vld.idx.msk [tilespmem:v52+s29+$0x0], $0xffff  }
0x2fb: {  	v58 =	vor.u32 s13, v6;
	v8 =	vadd.f32 v53, v8  }
0x2fc: {  	s14 =	sadd.s32 $0x10F, s10;
	v59 =	vld.idx.msk [tilespmem:v54+s29+$0x0], $0xffff  }
0x2fd: {  	v60 =	vor.u32 s14, v7;
	v8 =	vadd.f32 v55, v8  }
0x2fe: {  	v61 =	vld.idx.msk [tilespmem:v56+s29+$0x0], $0xffff  }
0x2ff: {  	v8 =	vadd.f32 v57, v8  }
0x300: {  	v62 =	vld.idx.msk [tilespmem:v58+s29+$0x0], $0xffff  }
0x301: {  	v8 =	vadd.f32 v59, v8  }
0x302: {  	v63 =	vld.idx.msk [tilespmem:v60+s29+$0x0], $0xffff  }
0x303: {  	v8 =	vadd.f32 v61, v8;
	_ =	sdelay $0x1  }
0x304: {  	v8 =	vadd.f32 v62, v8  }
0x305: {  	s15 =	sadd.s32 s4, s26  }
0x306: {  	s10 =	sshll.u32 s15, $0x4;
	v8 =	vadd.f32 v63, v8  }
0x307: {  	s10 =	sand.u32 $0x1FFFFFF0, s10  }
0x308: {  	s26 =	sadd.s32 s2, s10;
	[tilespmem:s9+$0x0] =	vst v8;
	s9 =	sadd.s32 $0x3, s25  }
0x309: {  	[hbm4b:s26+s6] =	stream.linear.scatter [tilespmem:s1], [sflag:$0x4], $0x80, $0x38;
	[tilespmem:$0x17440] =	vst v63  }
0x30a: {  	p1 =	sge.u32 s9, s7  }
.Ltmp10:
0x30b: {  	s9 =	sshll.u32 @!p1 s9, $0x7;
	(pc) =	sbr.rel .LBB2_14-.Ltmp10, $4  }
0x30c: {  	s10 =	simm.s32 @!p1 $0x80;
	s11 =	simm.s32 @!p1 $0x8F00;
	s9 =	sadd.s32 @!p1 s8, s9  }
0x30d: {  	[tilespmem:s11], [sflag:$0x2] =	stream.indirect.gather @!p1 [spmem:s3], $0x40, s9, s10, $0xb8;
	[tilespmem:$0x17440] =	vst v63  }
0x30e: {  	s9 =	sadd.s32 @!p1 $0x2780, s9;
	s11 =	simm.s32 @!p1 $0xAF00  }
0x30f: {  	[tilespmem:s11], [sflag:$0x2] =	stream.indirect.gather @!p1 [spmem:s3], $0x40, s9, s10, $0xb8;
	[tilespmem:$0x17440] =	vst v63  }
.LBB2_16:
0x310: {  	_ =	sfence.sel $0x180000  }
0x311: {  	[bflag:$0x0] =	sbarrier.arrive $0xFFFF  }
0x312: {  	_ =	strace $0x90000047  }
0x313: {  	s0 =	stileid.u32;
	[bflag:$0x2] =	sbarrier.arrive $0xFFFF  }
0x314: {  	p0 =	sne.s32 s0, $0x0;
	s0 =	rddreg [dreg:$0x3]  }
0x315: {  	s0 =	sadd.s32 @!p0 $0x100000, s0  }
0x316: {  	[sflag:s0] =	ssyncadd.tile.s32 @!p0 $0x1;
	_ =	shalt  }
.Lfunc_end2:
_tile_overlayer_lowered:
.L_overlay_start_2:
0x317: {  	(tag) =	ssettag $0x2  }
0x318: {  	s0 =	rddreg [dreg:$0x0];
	s2 =	stileid.u32  }
0x319: {  	s1 =	rddreg [dreg:$0x1];
	p0 =	sne.s32 s2, $0x0  }
0x31a: {  	s3 =	rddreg [dreg:$0x2];
	[bflag:$0x3] =	sbarrier.arrive $0xFFFF;
	s2 =	simm.s32 @!p0 $0x1C05  }
0x31b: {  	[timem:s3], [sflag:s2] =	dma.local @!p0 [hbm:s0], s1  }
0x31c: {  	s0 =	simm.s32 @!p0 $0x5  }
0x31d: {  	_ =	swait.ge @!p0 [sflag:s0], s1  }
0x31e: {  	s1 =	ssub.s32 @!p0 $0x0, s1;
	[sflag:s0] =	ssyncset.done @!p0 $0x0  }
0x31f: {  	[sflag:s0] =	ssyncadd.s32 @!p0 s1  }
0x320: {  	[bflag:$0x3] =	sbarrier.arrive $0xFFFF  }
0x321: {  	_ =	shalt  }

</sc_bundles>
